<compile_context>
chip_gen: v7x
topology: tpu7x:2x2x1
jax: 0.10.2.dev20260603
libtpu: 0.0.44.dev20260713+nightly
codegen_flags: <defaults>
</compile_context>

<pallas_src>
import functools

import jax
import jax.numpy as jnp
from jax import lax
from jax.experimental import pallas as pl
from jax.experimental.pallas import tpu as pltpu
from jax.experimental.pallas import tpu_sc as plsc

N = 4096
K = 32
R2 = 25.0
NB = 32
L = 16
NC, NS = 2, 16
NW = NC * NS
RPW = N // NW
FUSE = 4
NCHUNK = N // L
NK = N * K
INF = float("inf")


def _merge16to32_desc(Ck, Cv, Dk, Dv):
    lt = Ck < Dk
    P0k = jnp.where(lt, Ck, Dk)
    P0v = jnp.where(lt, Cv, Dv)
    P1k = jnp.where(lt, Dk, Ck)
    P1v = jnp.where(lt, Dv, Cv)
    S0k, S0v = plsc.sort_key_val(P0k, P0v, descending=True)
    S1k, S1v = plsc.sort_key_val(P1k, P1v, descending=True)
    return S0k, S0v, S1k, S1v


def _merge32keep32(T0k, T0v, T1k, T1v, S0k, S0v, S1k, S1v):
    ltA = T0k < S1k
    L0k = jnp.where(ltA, T0k, S1k)
    L0v = jnp.where(ltA, T0v, S1v)
    ltB = T1k < S0k
    L1k = jnp.where(ltB, T1k, S0k)
    L1v = jnp.where(ltB, T1v, S0v)
    lt2 = L0k < L1k
    P0k = jnp.where(lt2, L0k, L1k)
    P0v = jnp.where(lt2, L0v, L1v)
    P1k = jnp.where(lt2, L1k, L0k)
    P1v = jnp.where(lt2, L1v, L0v)
    T0k, T0v = plsc.sort_key_val(P0k, P0v)
    T1k, T1v = plsc.sort_key_val(P1k, P1v)
    return T0k, T0v, T1k, T1v


def _sqrt16(x):
    i = plsc.bitcast(x, jnp.int32)
    i = jnp.int32(0x5F3759DF) - (i >> 1)
    y = plsc.bitcast(i, jnp.float32)
    half_x = jnp.float32(0.5) * x
    for _ in range(2):
        y = y * (jnp.float32(1.5) - half_x * y * y)
    return x * y


def _tec_body(x_hbm, y_hbm, z_hbm, b_hbm, ei_hbm, w_hbm,
              xv, yv, zv, bv, sqv, lo_t, hi_t, src_v, tgt_v, w_v, dma_sem):
    wid = lax.axis_index("s") * NC + lax.axis_index("c")
    r0 = wid * RPW
    iota = lax.iota(jnp.int32, L)

    copies = [
        pltpu.async_copy(x_hbm, xv, dma_sem),
        pltpu.async_copy(y_hbm, yv, dma_sem),
        pltpu.async_copy(z_hbm, zv, dma_sem),
        pltpu.async_copy(b_hbm, bv.at[pl.ds(L, N)], dma_sem),
    ]
    bv[pl.ds(0, L)] = jnp.full((L,), -1, jnp.int32)
    bv[pl.ds(L + N, L)] = jnp.full((L,), NB, jnp.int32)
    for c in copies:
        c.wait()

    def setup_body(c, carry):
        off = c * L
        x = xv[pl.ds(off, L)]
        y = yv[pl.ds(off, L)]
        z = zv[pl.ds(off, L)]
        sqv[pl.ds(off, L)] = x * x + y * y + z * z
        xv[pl.ds(off, L)] = -2.0 * x
        yv[pl.ds(off, L)] = -2.0 * y
        zv[pl.ds(off, L)] = -2.0 * z
        cur = bv[pl.ds(L + off, L)]
        prv = bv[pl.ds(L + off - 1, L)]
        nxt = bv[pl.ds(L + off + 1, L)]
        gidx = iota + off
        plsc.store_scatter(lo_t, [cur], gidx, mask=cur != prv)
        plsc.store_scatter(hi_t, [cur], gidx + 1, mask=cur != nxt)
        return carry

    lax.fori_loop(0, NCHUNK, setup_body, 0)

    z16 = jnp.zeros((L,), jnp.int32)
    inf16 = jnp.full((L,), INF, jnp.float32)

    def rowgroup_body(rp):
        gs = [r0 + FUSE * rp + j for j in range(FUSE)]

        def row_ctx(gi):
            gisp = jnp.broadcast_to(gi, (L,))
            xi = jnp.float32(-0.5) * plsc.load_gather(xv, [gisp])
            yi = jnp.float32(-0.5) * plsc.load_gather(yv, [gisp])
            zi = jnp.float32(-0.5) * plsc.load_gather(zv, [gisp])
            sqi = plsc.load_gather(sqv, [gisp])
            bsp = plsc.load_gather(bv, [gisp + L])
            return gisp, xi, yi, zi, sqi, bsp

        ctxs = [row_ctx(g) for g in gs]
        lo = jnp.max(plsc.load_gather(lo_t, [ctxs[0][5]]))
        hi = jnp.max(plsc.load_gather(hi_t, [ctxs[-1][5]]))
        c0 = lo // L
        c1 = (hi + (L - 1)) // L

        def chunk16(ctx, vidx, bx, by, bz, bb, bsq, cvalid, descending):
            gisp, xi, yi, zi, sqi, bsp = ctx[:6]
            dot = xi * bx + yi * by + zi * bz
            d2 = jnp.maximum((sqi + bsq) + dot, 0.0)
            m = (bb == bsp) & (vidx != gisp) & cvalid
            key = jnp.where(m, d2, INF)
            return plsc.sort_key_val(key, vidx, descending=descending)

        def pair_body(p, T):
            ca = c0 + 2 * p
            cb = jnp.minimum(ca + 1, NCHUNK - 1)
            bvalid = ca + 1 < c1
            offa = ca * L
            offb = cb * L
            la = (xv[pl.ds(offa, L)], yv[pl.ds(offa, L)], zv[pl.ds(offa, L)],
                  bv[pl.ds(L + offa, L)], sqv[pl.ds(offa, L)])
            lb = (xv[pl.ds(offb, L)], yv[pl.ds(offb, L)], zv[pl.ds(offb, L)],
                  bv[pl.ds(L + offb, L)], sqv[pl.ds(offb, L)])
            via = iota + offa
            vib = iota + offb
            Tn = []
            for j, ctx in enumerate(ctxs):
                Ck, Cv = chunk16(ctx, via, *la, True, False)
                Dk, Dv = chunk16(ctx, vib, *lb, bvalid, True)
                S = _merge16to32_desc(Ck, Cv, Dk, Dv)
                Tn.extend(_merge32keep32(*T[4 * j:4 * j + 4], *S))
            return tuple(Tn)

        npairs = (c1 - c0 + 1) // 2
        init = (inf16, z16, inf16, z16)
        T = lax.fori_loop(0, npairs, pair_body, init * FUSE)

        for j, ctx in enumerate(ctxs):
            gisp_r = ctx[0]
            rr = FUSE * rp + j
            base = rr * K
            for half in range(2):
                tk = T[4 * j + 2 * half]
                tv = T[4 * j + 2 * half + 1]
                keep = tk <= R2
                good = keep & (tk > 0.0)
                safe = jnp.where(good, tk, jnp.float32(1.0))
                wgt = jnp.where(good, _sqrt16(safe), jnp.float32(0.0))
                off = base + half * L
                src_v[pl.ds(off, L)] = jnp.where(keep, tv, -1)
                tgt_v[pl.ds(off, L)] = jnp.where(keep, gisp_r, -1)
                w_v[pl.ds(off, L)] = wgt

    plsc.parallel_loop(0, RPW // FUSE, 1, unroll=1)(rowgroup_body)

    out0 = r0 * K
    pltpu.sync_copy(src_v, ei_hbm.at[0, pl.ds(out0, RPW * K)])
    pltpu.sync_copy(tgt_v, ei_hbm.at[1, pl.ds(out0, RPW * K)])
    pltpu.sync_copy(w_v, w_hbm.at[pl.ds(out0, RPW * K)])


@jax.jit
def kernel(pos, batch):
    x = pos[:, 0]
    y = pos[:, 1]
    z = pos[:, 2]
    b = batch.astype(jnp.int32)

    mesh = plsc.VectorSubcoreMesh(core_axis_name="c", subcore_axis_name="s",
                                  num_cores=NC)
    run = functools.partial(
        pl.kernel,
        out_type=[
            jax.ShapeDtypeStruct((2, NK), jnp.int32),
            jax.ShapeDtypeStruct((NK,), jnp.float32),
        ],
        mesh=mesh,
        compiler_params=pltpu.CompilerParams(needs_layout_passes=False),
        scratch_types=[
            pltpu.VMEM((N,), jnp.float32),
            pltpu.VMEM((N,), jnp.float32),
            pltpu.VMEM((N,), jnp.float32),
            pltpu.VMEM((N + 2 * L,), jnp.int32),
            pltpu.VMEM((N,), jnp.float32),
            pltpu.VMEM((NB,), jnp.int32),
            pltpu.VMEM((NB,), jnp.int32),
            pltpu.VMEM((RPW * K,), jnp.int32),
            pltpu.VMEM((RPW * K,), jnp.int32),
            pltpu.VMEM((RPW * K,), jnp.float32),
            pltpu.SemaphoreType.DMA,
        ],
    )(_tec_body)
    ei, w = run(x, y, z, b)
    return ei, w

# --- scband reference (transcript-rebuilt; emitter-appended) ---
"""Pipeline reference for scband-distance-14276471292317 (READ-ONLY COPY).

The authoritative reference and input builder live on the scoring server;
editing this copy changes nothing except your own understanding.
"""

import jax, jax.numpy as jnp
import numpy as np

CUTOFF_LOWER = 0.0
CUTOFF_UPPER = 5.0
MAX_NUM_NEIGHBORS = 32
N_NODES = 4096
N_MOL = 32


def setup_inputs(seed: int = 0) -> dict:
    key = jax.random.key(seed)
    k1, k2 = jax.random.split(key)
    pos = jax.random.normal(k1, (N_NODES, 3), dtype=jnp.float32)
    batch = jnp.sort(jax.random.randint(k2, (N_NODES,), 0, N_MOL)).astype(jnp.int32)
    return {"pos": pos, "batch": batch}


def reference(pos, batch):
    # Faithful dense re-implementation of radius_graph (loop=False,
    # flow='source_to_target') followed by the Distance forward.
    # Dynamic edge counts are represented with a fixed-size [N, K] layout:
    # invalid edge slots get edge_index = -1 and edge_weight = 0.
    N = pos.shape[0]
    K = MAX_NUM_NEIGHBORS
    sq = jnp.sum(pos * pos, axis=-1)
    d2 = sq[:, None] + sq[None, :] - 2.0 * (pos @ pos.T)
    d2 = jnp.maximum(d2, 0.0)
    same_batch = batch[:, None] == batch[None, :]
    eye = jnp.eye(N, dtype=bool)
    mask = same_batch & (~eye) & (d2 <= CUTOFF_UPPER * CUTOFF_UPPER)
    masked_d2 = jnp.where(mask, d2, jnp.inf)
    # nearest max_num_neighbors per target node (row i = target/center)
    neg_vals, src = jax.lax.top_k(-masked_d2, K)
    d2_sel = -neg_vals
    valid = jnp.isfinite(d2_sel)
    pos_mask = valid & (d2_sel > 0.0)
    safe_d2 = jnp.where(pos_mask, d2_sel, 1.0)
    edge_weight = jnp.where(pos_mask, jnp.sqrt(safe_d2), 0.0)
    # lower cutoff mask (cutoff_lower = 0.0 keeps everything valid)
    keep = valid & (edge_weight >= CUTOFF_LOWER)
    tgt = jnp.broadcast_to(jnp.arange(N)[:, None], (N, K))
    edge_index = jnp.stack([
        jnp.where(keep, src, -1).reshape(-1),
        jnp.where(keep, tgt, -1).reshape(-1),
    ]).astype(jnp.int32)
    edge_weight = jnp.where(keep, edge_weight, 0.0).reshape(-1)
    return edge_index, edge_weight

if __name__ == "__main__":
    import jax
    _d = setup_inputs()
    print(jax.jit(kernel)(*tuple(_d.values())))

</pallas_src>

<mosaic_0001>
#map = affine_map<(d0, d1) -> (0)>
#map1 = affine_map<(d0, d1) -> (0, 0)>
module attributes {stable_mosaic.version = 14 : i64} {
  func.func @_tec_body(%arg0: i32, %arg1: i32, %arg2: memref<4096xf32, #tpu.memory_space<hbm>>, %arg3: memref<4096xf32, #tpu.memory_space<hbm>>, %arg4: memref<4096xf32, #tpu.memory_space<hbm>>, %arg5: memref<4096xi32, #tpu.memory_space<hbm>>, %arg6: memref<2x131072xi32, #tpu.memory_space<hbm>>, %arg7: memref<131072xf32, #tpu.memory_space<hbm>>, %arg8: memref<4096xf32, #tpu.memory_space<vmem>>, %arg9: memref<4096xf32, #tpu.memory_space<vmem>>, %arg10: memref<4096xf32, #tpu.memory_space<vmem>>, %arg11: memref<4128xi32, #tpu.memory_space<vmem>>, %arg12: memref<4096xf32, #tpu.memory_space<vmem>>, %arg13: memref<32xi32, #tpu.memory_space<vmem>>, %arg14: memref<32xi32, #tpu.memory_space<vmem>>, %arg15: memref<4096xi32, #tpu.memory_space<vmem>>, %arg16: memref<4096xi32, #tpu.memory_space<vmem>>, %arg17: memref<4096xf32, #tpu.memory_space<vmem>>, %arg18: memref<!tpu.dma_semaphore, #tpu.memory_space<semaphore_mem>>) attributes {dimension_semantics = [#tpu.dimension_semantics<core_parallel>, #tpu.dimension_semantics<subcore_parallel>], iteration_bounds = array<i64: 2, 16>, scalar_prefetch = 0 : i64, scratch_operands = 11 : i64, tpu.core_type = #tpu.core_type<sc_vector_subcore>, window_params = [{transform_indices = #map}, {transform_indices = #map}, {transform_indices = #map}, {transform_indices = #map}, {transform_indices = #map1}, {transform_indices = #map}]} {
    %mul3A = arith.constant 2 : i32
    %mul3A_0 = arith.muli %arg1, %mul3A : i32
    %add3A = arith.addi %mul3A_0, %arg0 : i32
    %mul3A_1 = arith.constant 128 : i32
    %mul3A_2 = arith.muli %add3A, %mul3A_1 : i32
    %iota3A = tpu.iota {dimensions = array<i32: 0>} : vector<16xi32>
    tpu.enqueue_dma source(%arg2 : memref<4096xf32, #tpu.memory_space<hbm>>) target(%arg8 : memref<4096xf32, #tpu.memory_space<vmem>>) target_semaphore(%arg18 : memref<!tpu.dma_semaphore, #tpu.memory_space<semaphore_mem>>)
    tpu.enqueue_dma source(%arg3 : memref<4096xf32, #tpu.memory_space<hbm>>) target(%arg9 : memref<4096xf32, #tpu.memory_space<vmem>>) target_semaphore(%arg18 : memref<!tpu.dma_semaphore, #tpu.memory_space<semaphore_mem>>)
    tpu.enqueue_dma source(%arg4 : memref<4096xf32, #tpu.memory_space<hbm>>) target(%arg10 : memref<4096xf32, #tpu.memory_space<vmem>>) target_semaphore(%arg18 : memref<!tpu.dma_semaphore, #tpu.memory_space<semaphore_mem>>)
    %dma_start3A = arith.constant 16 : i32
    %dma_start3A_3 = tpu.memref_slice %arg11[%dma_start3A] : memref<4128xi32, #tpu.memory_space<vmem>> -> memref<4096xi32, #tpu.memory_space<vmem>>
    %dma_start3A_4 = arith.constant 16 : i32
    %dma_start3A_5 = tpu.memref_slice %arg11[%dma_start3A_4] : memref<4128xi32, #tpu.memory_space<vmem>> -> memref<4096xi32, #tpu.memory_space<vmem>>
    tpu.enqueue_dma source(%arg5 : memref<4096xi32, #tpu.memory_space<hbm>>) target(%dma_start3A_5 : memref<4096xi32, #tpu.memory_space<vmem>>) target_semaphore(%arg18 : memref<!tpu.dma_semaphore, #tpu.memory_space<semaphore_mem>>)
    %broadcast_in_dim3A = arith.constant -1 : i32
    %broadcast_in_dim3A_6 = vector.broadcast %broadcast_in_dim3A : i32 to vector<16xi32>
    %swap3A = arith.constant 0 : index
    %swap3A_7 = tpu.vector_load %arg11[%swap3A] {strides = array<i32>} : memref<4128xi32, #tpu.memory_space<vmem>>, vector<16xi32>,
    tpu.vector_store %arg11[%swap3A], %broadcast_in_dim3A_6 {strides = array<i32>} : memref<4128xi32, #tpu.memory_space<vmem>>, vector<16xi32>,
    %broadcast_in_dim3A_8 = arith.constant 32 : i32
    %broadcast_in_dim3A_9 = vector.broadcast %broadcast_in_dim3A_8 : i32 to vector<16xi32>
    %swap3A_10 = arith.constant 4112 : index
    %swap3A_11 = tpu.vector_load %arg11[%swap3A_10] {strides = array<i32>} : memref<4128xi32, #tpu.memory_space<vmem>>, vector<16xi32>,
    tpu.vector_store %arg11[%swap3A_10], %broadcast_in_dim3A_9 {strides = array<i32>} : memref<4128xi32, #tpu.memory_space<vmem>>, vector<16xi32>,
    tpu.wait_dma2 semaphore(%arg18 : memref<!tpu.dma_semaphore, #tpu.memory_space<semaphore_mem>>) src(%arg2 : memref<4096xf32, #tpu.memory_space<hbm>>) dst(%arg8 : memref<4096xf32, #tpu.memory_space<vmem>>)
    tpu.wait_dma2 semaphore(%arg18 : memref<!tpu.dma_semaphore, #tpu.memory_space<semaphore_mem>>) src(%arg3 : memref<4096xf32, #tpu.memory_space<hbm>>) dst(%arg9 : memref<4096xf32, #tpu.memory_space<vmem>>)
    tpu.wait_dma2 semaphore(%arg18 : memref<!tpu.dma_semaphore, #tpu.memory_space<semaphore_mem>>) src(%arg4 : memref<4096xf32, #tpu.memory_space<hbm>>) dst(%arg10 : memref<4096xf32, #tpu.memory_space<vmem>>)
    %dma_wait3A = arith.constant 16 : i32
    %dma_wait3A_12 = tpu.memref_slice %arg11[%dma_wait3A] : memref<4128xi32, #tpu.memory_space<vmem>> -> memref<4096xi32, #tpu.memory_space<vmem>>
    %dma_wait3A_13 = arith.constant 16 : i32
    %dma_wait3A_14 = tpu.memref_slice %arg11[%dma_wait3A_13] : memref<4128xi32, #tpu.memory_space<vmem>> -> memref<4096xi32, #tpu.memory_space<vmem>>
    tpu.wait_dma2 semaphore(%arg18 : memref<!tpu.dma_semaphore, #tpu.memory_space<semaphore_mem>>) src(%arg5 : memref<4096xi32, #tpu.memory_space<hbm>>) dst(%dma_wait3A_14 : memref<4096xi32, #tpu.memory_space<vmem>>)
    %scan3A = arith.constant 0 : i32
    %scan3A_15 = arith.constant 0 : i32
    %scan3A_16 = arith.constant 256 : i32
    %scan3A_17 = arith.addi %scan3A_15, %scan3A_16 : i32
    %scan3A_18 = arith.constant 1 : i32
    scf.for %scan3A_29 = %scan3A_15 to %scan3A_17 step %scan3A_18  : i32 {
      %mul3A_30 = arith.constant 16 : i32
      %mul3A_31 = arith.muli %scan3A_29, %mul3A_30 : i32
      %get3A = arith.index_cast %mul3A_31 : i32 to index
      %get3A_32 = tpu.vector_load %arg8[%get3A] {strides = array<i32>} : memref<4096xf32, #tpu.memory_space<vmem>>, vector<16xf32>,
      %get3A_33 = arith.index_cast %mul3A_31 : i32 to index
      %get3A_34 = tpu.vector_load %arg9[%get3A_33] {strides = array<i32>} : memref<4096xf32, #tpu.memory_space<vmem>>, vector<16xf32>,
      %get3A_35 = arith.index_cast %mul3A_31 : i32 to index
      %get3A_36 = tpu.vector_load %arg10[%get3A_35] {strides = array<i32>} : memref<4096xf32, #tpu.memory_space<vmem>>, vector<16xf32>,
      %mul3A_37 = arith.mulf %get3A_32, %get3A_32 : vector<16xf32>
      %mul3A_38 = arith.mulf %get3A_34, %get3A_34 : vector<16xf32>
      %add3A_39 = arith.addf %mul3A_37, %mul3A_38 : vector<16xf32>
      %mul3A_40 = arith.mulf %get3A_36, %get3A_36 : vector<16xf32>
      %add3A_41 = arith.addf %add3A_39, %mul3A_40 : vector<16xf32>
      %swap3A_42 = arith.index_cast %mul3A_31 : i32 to index
      %swap3A_43 = tpu.vector_load %arg12[%swap3A_42] {strides = array<i32>} : memref<4096xf32, #tpu.memory_space<vmem>>, vector<16xf32>,
      tpu.vector_store %arg12[%swap3A_42], %add3A_41 {strides = array<i32>} : memref<4096xf32, #tpu.memory_space<vmem>>, vector<16xf32>,
      %mul3A_44 = arith.constant -2.000000e+00 : f32
      %mul3A_45 = vector.broadcast %mul3A_44 : f32 to vector<16xf32>
      %mul3A_46 = arith.mulf %mul3A_45, %get3A_32 : vector<16xf32>
      %swap3A_47 = arith.index_cast %mul3A_31 : i32 to index
      %swap3A_48 = tpu.vector_load %arg8[%swap3A_47] {strides = array<i32>} : memref<4096xf32, #tpu.memory_space<vmem>>, vector<16xf32>,
      tpu.vector_store %arg8[%swap3A_47], %mul3A_46 {strides = array<i32>} : memref<4096xf32, #tpu.memory_space<vmem>>, vector<16xf32>,
      %mul3A_49 = arith.constant -2.000000e+00 : f32
      %mul3A_50 = vector.broadcast %mul3A_49 : f32 to vector<16xf32>
      %mul3A_51 = arith.mulf %mul3A_50, %get3A_34 : vector<16xf32>
      %swap3A_52 = arith.index_cast %mul3A_31 : i32 to index
      %swap3A_53 = tpu.vector_load %arg9[%swap3A_52] {strides = array<i32>} : memref<4096xf32, #tpu.memory_space<vmem>>, vector<16xf32>,
      tpu.vector_store %arg9[%swap3A_52], %mul3A_51 {strides = array<i32>} : memref<4096xf32, #tpu.memory_space<vmem>>, vector<16xf32>,
      %mul3A_54 = arith.constant -2.000000e+00 : f32
      %mul3A_55 = vector.broadcast %mul3A_54 : f32 to vector<16xf32>
      %mul3A_56 = arith.mulf %mul3A_55, %get3A_36 : vector<16xf32>
      %swap3A_57 = arith.index_cast %mul3A_31 : i32 to index
      %swap3A_58 = tpu.vector_load %arg10[%swap3A_57] {strides = array<i32>} : memref<4096xf32, #tpu.memory_space<vmem>>, vector<16xf32>,
      tpu.vector_store %arg10[%swap3A_57], %mul3A_56 {strides = array<i32>} : memref<4096xf32, #tpu.memory_space<vmem>>, vector<16xf32>,
      %add3A_59 = arith.constant 16 : i32
      %add3A_60 = arith.addi %add3A_59, %mul3A_31 : i32
      %get3A_61 = arith.index_cast %add3A_60 : i32 to index
      %get3A_62 = tpu.vector_load %arg11[%get3A_61] {strides = array<i32>} : memref<4128xi32, #tpu.memory_space<vmem>>, vector<16xi32>,
      %add3A_63 = arith.constant 16 : i32
      %add3A_64 = arith.addi %add3A_63, %mul3A_31 : i32
      %sub3A = arith.constant 1 : i32
      %sub3A_65 = arith.subi %add3A_64, %sub3A : i32
      %get3A_66 = arith.index_cast %sub3A_65 : i32 to index
      %get3A_67 = tpu.vector_load %arg11[%get3A_66] {strides = array<i32>} : memref<4128xi32, #tpu.memory_space<vmem>>, vector<16xi32>,
      %add3A_68 = arith.constant 16 : i32
      %add3A_69 = arith.addi %add3A_68, %mul3A_31 : i32
      %add3A_70 = arith.constant 1 : i32
      %add3A_71 = arith.addi %add3A_69, %add3A_70 : i32
      %get3A_72 = arith.index_cast %add3A_71 : i32 to index
      %get3A_73 = tpu.vector_load %arg11[%get3A_72] {strides = array<i32>} : memref<4128xi32, #tpu.memory_space<vmem>>, vector<16xi32>,
      %add3A_74 = vector.broadcast %mul3A_31 : i32 to vector<16xi32>
      %add3A_75 = arith.addi %iota3A, %add3A_74 : vector<16xi32>
      %ne3A = arith.cmpi ne, %get3A_62, %get3A_67 : vector<16xi32>
      tpu.vector_store_idx %arg13[%get3A_62], %add3A_75 masked %ne3A : memref<32xi32, #tpu.memory_space<vmem>>[vector<16xi32>], vector<16xi32>, vector<16xi1>
      %add3A_76 = arith.constant 1 : i32
      %add3A_77 = vector.broadcast %add3A_76 : i32 to vector<16xi32>
      %add3A_78 = arith.addi %add3A_75, %add3A_77 : vector<16xi32>
      %ne3A_79 = arith.cmpi ne, %get3A_62, %get3A_73 : vector<16xi32>
      tpu.vector_store_idx %arg14[%get3A_62], %add3A_78 masked %ne3A_79 : memref<32xi32, #tpu.memory_space<vmem>>[vector<16xi32>], vector<16xi32>, vector<16xi1>
    }
    %scan3A_19 = arith.constant 256 : i32
    %broadcast_in_dim3A_20 = arith.constant 0 : i32
    %broadcast_in_dim3A_21 = vector.broadcast %broadcast_in_dim3A_20 : i32 to vector<16xi32>
    %broadcast_in_dim3A_22 = arith.constant 0x7F800000 : f32
    %broadcast_in_dim3A_23 = vector.broadcast %broadcast_in_dim3A_22 : f32 to vector<16xf32>
    %parallel_loop3A = arith.constant 0 : i32
    %parallel_loop3A_24 = arith.constant 32 : i32
    %parallel_loop3A_25 = arith.constant 1 : i32
    scf.for %parallel_loop3A_29 = %parallel_loop3A to %parallel_loop3A_24 step %parallel_loop3A_25  : i32 {
      %parallel_loop3A_30 = arith.constant 4 : i32
      %parallel_loop3A_31 = arith.muli %parallel_loop3A_30, %parallel_loop3A_29 : i32
      %parallel_loop3A_32 = arith.addi %mul3A_2, %parallel_loop3A_31 : i32
      %parallel_loop3A_33 = arith.constant 0 : i32
      %parallel_loop3A_34 = arith.addi %parallel_loop3A_32, %parallel_loop3A_33 : i32
      %parallel_loop3A_35 = arith.constant 4 : i32
      %parallel_loop3A_36 = arith.muli %parallel_loop3A_35, %parallel_loop3A_29 : i32
      %parallel_loop3A_37 = arith.addi %mul3A_2, %parallel_loop3A_36 : i32
      %parallel_loop3A_38 = arith.constant 1 : i32
      %parallel_loop3A_39 = arith.addi %parallel_loop3A_37, %parallel_loop3A_38 : i32
      %parallel_loop3A_40 = arith.constant 4 : i32
      %parallel_loop3A_41 = arith.muli %parallel_loop3A_40, %parallel_loop3A_29 : i32
      %parallel_loop3A_42 = arith.addi %mul3A_2, %parallel_loop3A_41 : i32
      %parallel_loop3A_43 = arith.constant 2 : i32
      %parallel_loop3A_44 = arith.addi %parallel_loop3A_42, %parallel_loop3A_43 : i32
      %parallel_loop3A_45 = arith.constant 4 : i32
      %parallel_loop3A_46 = arith.muli %parallel_loop3A_45, %parallel_loop3A_29 : i32
      %parallel_loop3A_47 = arith.addi %mul3A_2, %parallel_loop3A_46 : i32
      %parallel_loop3A_48 = arith.constant 3 : i32
      %parallel_loop3A_49 = arith.addi %parallel_loop3A_47, %parallel_loop3A_48 : i32
      %parallel_loop3A_50 = vector.broadcast %parallel_loop3A_34 : i32 to vector<16xi32>
      %parallel_loop3A_51 = tpu.vector_load_idx %arg8[%parallel_loop3A_50] : memref<4096xf32, #tpu.memory_space<vmem>>[vector<16xi32>], vector<16xf32>,
      %parallel_loop3A_52 = arith.constant -5.000000e-01 : f32
      %parallel_loop3A_53 = vector.broadcast %parallel_loop3A_52 : f32 to vector<16xf32>
      %parallel_loop3A_54 = arith.mulf %parallel_loop3A_53, %parallel_loop3A_51 : vector<16xf32>
      %parallel_loop3A_55 = tpu.vector_load_idx %arg9[%parallel_loop3A_50] : memref<4096xf32, #tpu.memory_space<vmem>>[vector<16xi32>], vector<16xf32>,
      %parallel_loop3A_56 = arith.constant -5.000000e-01 : f32
      %parallel_loop3A_57 = vector.broadcast %parallel_loop3A_56 : f32 to vector<16xf32>
      %parallel_loop3A_58 = arith.mulf %parallel_loop3A_57, %parallel_loop3A_55 : vector<16xf32>
      %parallel_loop3A_59 = tpu.vector_load_idx %arg10[%parallel_loop3A_50] : memref<4096xf32, #tpu.memory_space<vmem>>[vector<16xi32>], vector<16xf32>,
      %parallel_loop3A_60 = arith.constant -5.000000e-01 : f32
      %parallel_loop3A_61 = vector.broadcast %parallel_loop3A_60 : f32 to vector<16xf32>
      %parallel_loop3A_62 = arith.mulf %parallel_loop3A_61, %parallel_loop3A_59 : vector<16xf32>
      %parallel_loop3A_63 = tpu.vector_load_idx %arg12[%parallel_loop3A_50] : memref<4096xf32, #tpu.memory_space<vmem>>[vector<16xi32>], vector<16xf32>,
      %parallel_loop3A_64 = arith.constant 16 : i32
      %parallel_loop3A_65 = vector.broadcast %parallel_loop3A_64 : i32 to vector<16xi32>
      %parallel_loop3A_66 = arith.addi %parallel_loop3A_50, %parallel_loop3A_65 : vector<16xi32>
      %parallel_loop3A_67 = tpu.vector_load_idx %arg11[%parallel_loop3A_66] : memref<4128xi32, #tpu.memory_space<vmem>>[vector<16xi32>], vector<16xi32>,
      %parallel_loop3A_68 = vector.broadcast %parallel_loop3A_39 : i32 to vector<16xi32>
      %parallel_loop3A_69 = tpu.vector_load_idx %arg8[%parallel_loop3A_68] : memref<4096xf32, #tpu.memory_space<vmem>>[vector<16xi32>], vector<16xf32>,
      %parallel_loop3A_70 = arith.constant -5.000000e-01 : f32
      %parallel_loop3A_71 = vector.broadcast %parallel_loop3A_70 : f32 to vector<16xf32>
      %parallel_loop3A_72 = arith.mulf %parallel_loop3A_71, %parallel_loop3A_69 : vector<16xf32>
      %parallel_loop3A_73 = tpu.vector_load_idx %arg9[%parallel_loop3A_68] : memref<4096xf32, #tpu.memory_space<vmem>>[vector<16xi32>], vector<16xf32>,
      %parallel_loop3A_74 = arith.constant -5.000000e-01 : f32
      %parallel_loop3A_75 = vector.broadcast %parallel_loop3A_74 : f32 to vector<16xf32>
      %parallel_loop3A_76 = arith.mulf %parallel_loop3A_75, %parallel_loop3A_73 : vector<16xf32>
      %parallel_loop3A_77 = tpu.vector_load_idx %arg10[%parallel_loop3A_68] : memref<4096xf32, #tpu.memory_space<vmem>>[vector<16xi32>], vector<16xf32>,
      %parallel_loop3A_78 = arith.constant -5.000000e-01 : f32
      %parallel_loop3A_79 = vector.broadcast %parallel_loop3A_78 : f32 to vector<16xf32>
      %parallel_loop3A_80 = arith.mulf %parallel_loop3A_79, %parallel_loop3A_77 : vector<16xf32>
      %parallel_loop3A_81 = tpu.vector_load_idx %arg12[%parallel_loop3A_68] : memref<4096xf32, #tpu.memory_space<vmem>>[vector<16xi32>], vector<16xf32>,
      %parallel_loop3A_82 = arith.constant 16 : i32
      %parallel_loop3A_83 = vector.broadcast %parallel_loop3A_82 : i32 to vector<16xi32>
      %parallel_loop3A_84 = arith.addi %parallel_loop3A_68, %parallel_loop3A_83 : vector<16xi32>
      %parallel_loop3A_85 = tpu.vector_load_idx %arg11[%parallel_loop3A_84] : memref<4128xi32, #tpu.memory_space<vmem>>[vector<16xi32>], vector<16xi32>,
      %parallel_loop3A_86 = vector.broadcast %parallel_loop3A_44 : i32 to vector<16xi32>
      %parallel_loop3A_87 = tpu.vector_load_idx %arg8[%parallel_loop3A_86] : memref<4096xf32, #tpu.memory_space<vmem>>[vector<16xi32>], vector<16xf32>,
      %parallel_loop3A_88 = arith.constant -5.000000e-01 : f32
      %parallel_loop3A_89 = vector.broadcast %parallel_loop3A_88 : f32 to vector<16xf32>
      %parallel_loop3A_90 = arith.mulf %parallel_loop3A_89, %parallel_loop3A_87 : vector<16xf32>
      %parallel_loop3A_91 = tpu.vector_load_idx %arg9[%parallel_loop3A_86] : memref<4096xf32, #tpu.memory_space<vmem>>[vector<16xi32>], vector<16xf32>,
      %parallel_loop3A_92 = arith.constant -5.000000e-01 : f32
      %parallel_loop3A_93 = vector.broadcast %parallel_loop3A_92 : f32 to vector<16xf32>
      %parallel_loop3A_94 = arith.mulf %parallel_loop3A_93, %parallel_loop3A_91 : vector<16xf32>
      %parallel_loop3A_95 = tpu.vector_load_idx %arg10[%parallel_loop3A_86] : memref<4096xf32, #tpu.memory_space<vmem>>[vector<16xi32>], vector<16xf32>,
      %parallel_loop3A_96 = arith.constant -5.000000e-01 : f32
      %parallel_loop3A_97 = vector.broadcast %parallel_loop3A_96 : f32 to vector<16xf32>
      %parallel_loop3A_98 = arith.mulf %parallel_loop3A_97, %parallel_loop3A_95 : vector<16xf32>
      %parallel_loop3A_99 = tpu.vector_load_idx %arg12[%parallel_loop3A_86] : memref<4096xf32, #tpu.memory_space<vmem>>[vector<16xi32>], vector<16xf32>,
      %parallel_loop3A_100 = arith.constant 16 : i32
      %parallel_loop3A_101 = vector.broadcast %parallel_loop3A_100 : i32 to vector<16xi32>
      %parallel_loop3A_102 = arith.addi %parallel_loop3A_86, %parallel_loop3A_101 : vector<16xi32>
      %parallel_loop3A_103 = tpu.vector_load_idx %arg11[%parallel_loop3A_102] : memref<4128xi32, #tpu.memory_space<vmem>>[vector<16xi32>], vector<16xi32>,
      %parallel_loop3A_104 = vector.broadcast %parallel_loop3A_49 : i32 to vector<16xi32>
      %parallel_loop3A_105 = tpu.vector_load_idx %arg8[%parallel_loop3A_104] : memref<4096xf32, #tpu.memory_space<vmem>>[vector<16xi32>], vector<16xf32>,
      %parallel_loop3A_106 = arith.constant -5.000000e-01 : f32
      %parallel_loop3A_107 = vector.broadcast %parallel_loop3A_106 : f32 to vector<16xf32>
      %parallel_loop3A_108 = arith.mulf %parallel_loop3A_107, %parallel_loop3A_105 : vector<16xf32>
      %parallel_loop3A_109 = tpu.vector_load_idx %arg9[%parallel_loop3A_104] : memref<4096xf32, #tpu.memory_space<vmem>>[vector<16xi32>], vector<16xf32>,
      %parallel_loop3A_110 = arith.constant -5.000000e-01 : f32
      %parallel_loop3A_111 = vector.broadcast %parallel_loop3A_110 : f32 to vector<16xf32>
      %parallel_loop3A_112 = arith.mulf %parallel_loop3A_111, %parallel_loop3A_109 : vector<16xf32>
      %parallel_loop3A_113 = tpu.vector_load_idx %arg10[%parallel_loop3A_104] : memref<4096xf32, #tpu.memory_space<vmem>>[vector<16xi32>], vector<16xf32>,
      %parallel_loop3A_114 = arith.constant -5.000000e-01 : f32
      %parallel_loop3A_115 = vector.broadcast %parallel_loop3A_114 : f32 to vector<16xf32>
      %parallel_loop3A_116 = arith.mulf %parallel_loop3A_115, %parallel_loop3A_113 : vector<16xf32>
      %parallel_loop3A_117 = tpu.vector_load_idx %arg12[%parallel_loop3A_104] : memref<4096xf32, #tpu.memory_space<vmem>>[vector<16xi32>], vector<16xf32>,
      %parallel_loop3A_118 = arith.constant 16 : i32
      %parallel_loop3A_119 = vector.broadcast %parallel_loop3A_118 : i32 to vector<16xi32>
      %parallel_loop3A_120 = arith.addi %parallel_loop3A_104, %parallel_loop3A_119 : vector<16xi32>
      %parallel_loop3A_121 = tpu.vector_load_idx %arg11[%parallel_loop3A_120] : memref<4128xi32, #tpu.memory_space<vmem>>[vector<16xi32>], vector<16xi32>,
      %parallel_loop3A_122 = tpu.vector_load_idx %arg13[%parallel_loop3A_67] : memref<32xi32, #tpu.memory_space<vmem>>[vector<16xi32>], vector<16xi32>,
      %parallel_loop3A_123 = arith.constant true
      %parallel_loop3A_124 = vector.broadcast %parallel_loop3A_123 : i1 to vector<16xi1>
      %parallel_loop3A_125 = arith.constant -2147483648 : i32
      %parallel_loop3A_126 = vector.broadcast %parallel_loop3A_125 : i32 to vector<16xi32>
      %parallel_loop3A_127 = arith.xori %parallel_loop3A_122, %parallel_loop3A_126 : vector<16xi32>
      %parallel_loop3A_128 = tpu.scan <max>, %parallel_loop3A_127 masked %parallel_loop3A_124 : vector<16xi32>, vector<16xi1> -> vector<16xi32>
      %parallel_loop3A_129 = arith.xori %parallel_loop3A_128, %parallel_loop3A_126 : vector<16xi32>
      %parallel_loop3A_130 = vector.extract %parallel_loop3A_129[15] : i32 from vector<16xi32>
      %parallel_loop3A_131 = tpu.vector_load_idx %arg14[%parallel_loop3A_121] : memref<32xi32, #tpu.memory_space<vmem>>[vector<16xi32>], vector<16xi32>,
      %parallel_loop3A_132 = arith.constant true
      %parallel_loop3A_133 = vector.broadcast %parallel_loop3A_132 : i1 to vector<16xi1>
      %parallel_loop3A_134 = arith.constant -2147483648 : i32
      %parallel_loop3A_135 = vector.broadcast %parallel_loop3A_134 : i32 to vector<16xi32>
      %parallel_loop3A_136 = arith.xori %parallel_loop3A_131, %parallel_loop3A_135 : vector<16xi32>
      %parallel_loop3A_137 = tpu.scan <max>, %parallel_loop3A_136 masked %parallel_loop3A_133 : vector<16xi32>, vector<16xi1> -> vector<16xi32>
      %parallel_loop3A_138 = arith.xori %parallel_loop3A_137, %parallel_loop3A_135 : vector<16xi32>
      %parallel_loop3A_139 = vector.extract %parallel_loop3A_138[15] : i32 from vector<16xi32>
      %parallel_loop3A_140 = arith.constant 16 : i32
      %parallel_loop3A_141 = arith.divsi %parallel_loop3A_130, %parallel_loop3A_140 : i32
      %parallel_loop3A_142 = arith.constant 0 : i32
      %parallel_loop3A_143 = arith.cmpi sgt, %parallel_loop3A_130, %parallel_loop3A_142 : i32
      %parallel_loop3A_144 = arith.extui %parallel_loop3A_143 : i1 to i32
      %parallel_loop3A_145 = arith.constant 0 : i32
      %parallel_loop3A_146 = arith.cmpi slt, %parallel_loop3A_130, %parallel_loop3A_145 : i32
      %parallel_loop3A_147 = arith.extui %parallel_loop3A_146 : i1 to i32
      %parallel_loop3A_148 = arith.subi %parallel_loop3A_144, %parallel_loop3A_147 : i32
      %parallel_loop3A_149 = arith.constant 0 : i32
      %parallel_loop3A_150 = arith.cmpi sgt, %parallel_loop3A_140, %parallel_loop3A_149 : i32
      %parallel_loop3A_151 = arith.extui %parallel_loop3A_150 : i1 to i32
      %parallel_loop3A_152 = arith.constant 0 : i32
      %parallel_loop3A_153 = arith.cmpi slt, %parallel_loop3A_140, %parallel_loop3A_152 : i32
      %parallel_loop3A_154 = arith.extui %parallel_loop3A_153 : i1 to i32
      %parallel_loop3A_155 = arith.subi %parallel_loop3A_151, %parallel_loop3A_154 : i32
      %parallel_loop3A_156 = arith.cmpi ne, %parallel_loop3A_148, %parallel_loop3A_155 : i32
      %parallel_loop3A_157 = arith.remsi %parallel_loop3A_130, %parallel_loop3A_140 : i32
      %parallel_loop3A_158 = arith.constant 0 : i32
      %parallel_loop3A_159 = arith.cmpi ne, %parallel_loop3A_157, %parallel_loop3A_158 : i32
      %parallel_loop3A_160 = arith.andi %parallel_loop3A_156, %parallel_loop3A_159 : i1
      %parallel_loop3A_161 = arith.constant 1 : i32
      %parallel_loop3A_162 = arith.subi %parallel_loop3A_141, %parallel_loop3A_161 : i32
      %parallel_loop3A_163 = arith.select %parallel_loop3A_160, %parallel_loop3A_162, %parallel_loop3A_141 : i32
      %parallel_loop3A_164 = arith.constant 15 : i32
      %parallel_loop3A_165 = arith.addi %parallel_loop3A_139, %parallel_loop3A_164 : i32
      %parallel_loop3A_166 = arith.constant 16 : i32
      %parallel_loop3A_167 = arith.divsi %parallel_loop3A_165, %parallel_loop3A_166 : i32
      %parallel_loop3A_168 = arith.constant 0 : i32
      %parallel_loop3A_169 = arith.cmpi sgt, %parallel_loop3A_165, %parallel_loop3A_168 : i32
      %parallel_loop3A_170 = arith.extui %parallel_loop3A_169 : i1 to i32
      %parallel_loop3A_171 = arith.constant 0 : i32
      %parallel_loop3A_172 = arith.cmpi slt, %parallel_loop3A_165, %parallel_loop3A_171 : i32
      %parallel_loop3A_173 = arith.extui %parallel_loop3A_172 : i1 to i32
      %parallel_loop3A_174 = arith.subi %parallel_loop3A_170, %parallel_loop3A_173 : i32
      %parallel_loop3A_175 = arith.constant 0 : i32
      %parallel_loop3A_176 = arith.cmpi sgt, %parallel_loop3A_166, %parallel_loop3A_175 : i32
      %parallel_loop3A_177 = arith.extui %parallel_loop3A_176 : i1 to i32
      %parallel_loop3A_178 = arith.constant 0 : i32
      %parallel_loop3A_179 = arith.cmpi slt, %parallel_loop3A_166, %parallel_loop3A_178 : i32
      %parallel_loop3A_180 = arith.extui %parallel_loop3A_179 : i1 to i32
      %parallel_loop3A_181 = arith.subi %parallel_loop3A_177, %parallel_loop3A_180 : i32
      %parallel_loop3A_182 = arith.cmpi ne, %parallel_loop3A_174, %parallel_loop3A_181 : i32
      %parallel_loop3A_183 = arith.remsi %parallel_loop3A_165, %parallel_loop3A_166 : i32
      %parallel_loop3A_184 = arith.constant 0 : i32
      %parallel_loop3A_185 = arith.cmpi ne, %parallel_loop3A_183, %parallel_loop3A_184 : i32
      %parallel_loop3A_186 = arith.andi %parallel_loop3A_182, %parallel_loop3A_185 : i1
      %parallel_loop3A_187 = arith.constant 1 : i32
      %parallel_loop3A_188 = arith.subi %parallel_loop3A_167, %parallel_loop3A_187 : i32
      %parallel_loop3A_189 = arith.select %parallel_loop3A_186, %parallel_loop3A_188, %parallel_loop3A_167 : i32
      %parallel_loop3A_190 = arith.subi %parallel_loop3A_189, %parallel_loop3A_163 : i32
      %parallel_loop3A_191 = arith.constant 1 : i32
      %parallel_loop3A_192 = arith.addi %parallel_loop3A_190, %parallel_loop3A_191 : i32
      %parallel_loop3A_193 = arith.constant 2 : i32
      %parallel_loop3A_194 = arith.divsi %parallel_loop3A_192, %parallel_loop3A_193 : i32
      %parallel_loop3A_195 = arith.constant 0 : i32
      %parallel_loop3A_196 = arith.cmpi sgt, %parallel_loop3A_192, %parallel_loop3A_195 : i32
      %parallel_loop3A_197 = arith.extui %parallel_loop3A_196 : i1 to i32
      %parallel_loop3A_198 = arith.constant 0 : i32
      %parallel_loop3A_199 = arith.cmpi slt, %parallel_loop3A_192, %parallel_loop3A_198 : i32
      %parallel_loop3A_200 = arith.extui %parallel_loop3A_199 : i1 to i32
      %parallel_loop3A_201 = arith.subi %parallel_loop3A_197, %parallel_loop3A_200 : i32
      %parallel_loop3A_202 = arith.constant 0 : i32
      %parallel_loop3A_203 = arith.cmpi sgt, %parallel_loop3A_193, %parallel_loop3A_202 : i32
      %parallel_loop3A_204 = arith.extui %parallel_loop3A_203 : i1 to i32
      %parallel_loop3A_205 = arith.constant 0 : i32
      %parallel_loop3A_206 = arith.cmpi slt, %parallel_loop3A_193, %parallel_loop3A_205 : i32
      %parallel_loop3A_207 = arith.extui %parallel_loop3A_206 : i1 to i32
      %parallel_loop3A_208 = arith.subi %parallel_loop3A_204, %parallel_loop3A_207 : i32
      %parallel_loop3A_209 = arith.cmpi ne, %parallel_loop3A_201, %parallel_loop3A_208 : i32
      %parallel_loop3A_210 = arith.remsi %parallel_loop3A_192, %parallel_loop3A_193 : i32
      %parallel_loop3A_211 = arith.constant 0 : i32
      %parallel_loop3A_212 = arith.cmpi ne, %parallel_loop3A_210, %parallel_loop3A_211 : i32
      %parallel_loop3A_213 = arith.andi %parallel_loop3A_209, %parallel_loop3A_212 : i1
      %parallel_loop3A_214 = arith.constant 1 : i32
      %parallel_loop3A_215 = arith.subi %parallel_loop3A_194, %parallel_loop3A_214 : i32
      %parallel_loop3A_216 = arith.select %parallel_loop3A_213, %parallel_loop3A_215, %parallel_loop3A_194 : i32
      %parallel_loop3A_217 = arith.constant 0 : i32
      %parallel_loop3A_218 = arith.subi %parallel_loop3A_216, %parallel_loop3A_217 : i32
      %parallel_loop3A_219 = arith.addi %parallel_loop3A_217, %parallel_loop3A_218 : i32
      %parallel_loop3A_220 = arith.constant 1 : i32
      %parallel_loop3A_221 = arith.divsi %parallel_loop3A_218, %parallel_loop3A_220 : i32
      %parallel_loop3A_222 = arith.muli %parallel_loop3A_221, %parallel_loop3A_220 : i32
      %parallel_loop3A_223 = arith.addi %parallel_loop3A_217, %parallel_loop3A_222 : i32
      %parallel_loop3A_224 = arith.constant 1 : i32
      %parallel_loop3A_225:16 = scf.for %while3A = %parallel_loop3A_217 to %parallel_loop3A_223 step %parallel_loop3A_224 iter_args(%while3A_660 = %broadcast_in_dim3A_23, %while3A_661 = %broadcast_in_dim3A_21, %while3A_662 = %broadcast_in_dim3A_23, %while3A_663 = %broadcast_in_dim3A_21, %while3A_664 = %broadcast_in_dim3A_23, %while3A_665 = %broadcast_in_dim3A_21, %while3A_666 = %broadcast_in_dim3A_23, %while3A_667 = %broadcast_in_dim3A_21, %while3A_668 = %broadcast_in_dim3A_23, %while3A_669 = %broadcast_in_dim3A_21, %while3A_670 = %broadcast_in_dim3A_23, %while3A_671 = %broadcast_in_dim3A_21, %while3A_672 = %broadcast_in_dim3A_23, %while3A_673 = %broadcast_in_dim3A_21, %while3A_674 = %broadcast_in_dim3A_23, %while3A_675 = %broadcast_in_dim3A_21) -> (vector<16xf32>, vector<16xi32>, vector<16xf32>, vector<16xi32>, vector<16xf32>, vector<16xi32>, vector<16xf32>, vector<16xi32>, vector<16xf32>, vector<16xi32>, vector<16xf32>, vector<16xi32>, vector<16xf32>, vector<16xi32>, vector<16xf32>, vector<16xi32>)  : i32 {
        %parallel_loop3A_676 = arith.constant 2 : i32
        %parallel_loop3A_677 = arith.muli %parallel_loop3A_676, %while3A : i32
        %parallel_loop3A_678 = arith.addi %parallel_loop3A_163, %parallel_loop3A_677 : i32
        %parallel_loop3A_679 = arith.constant 1 : i32
        %parallel_loop3A_680 = arith.addi %parallel_loop3A_678, %parallel_loop3A_679 : i32
        %parallel_loop3A_681 = arith.constant 255 : i32
        %parallel_loop3A_682 = arith.minsi %parallel_loop3A_680, %parallel_loop3A_681 : i32
        %parallel_loop3A_683 = arith.constant 1 : i32
        %parallel_loop3A_684 = arith.addi %parallel_loop3A_678, %parallel_loop3A_683 : i32
        %parallel_loop3A_685 = arith.cmpi slt, %parallel_loop3A_684, %parallel_loop3A_189 : i32
        %parallel_loop3A_686 = arith.constant 16 : i32
        %parallel_loop3A_687 = arith.muli %parallel_loop3A_678, %parallel_loop3A_686 : i32
        %parallel_loop3A_688 = arith.constant 16 : i32
        %parallel_loop3A_689 = arith.muli %parallel_loop3A_682, %parallel_loop3A_688 : i32
        %parallel_loop3A_690 = arith.index_cast %parallel_loop3A_687 : i32 to index
        %parallel_loop3A_691 = tpu.vector_load %arg8[%parallel_loop3A_690] {strides = array<i32>} : memref<4096xf32, #tpu.memory_space<vmem>>, vector<16xf32>,
        %parallel_loop3A_692 = arith.index_cast %parallel_loop3A_687 : i32 to index
        %parallel_loop3A_693 = tpu.vector_load %arg9[%parallel_loop3A_692] {strides = array<i32>} : memref<4096xf32, #tpu.memory_space<vmem>>, vector<16xf32>,
        %parallel_loop3A_694 = arith.index_cast %parallel_loop3A_687 : i32 to index
        %parallel_loop3A_695 = tpu.vector_load %arg10[%parallel_loop3A_694] {strides = array<i32>} : memref<4096xf32, #tpu.memory_space<vmem>>, vector<16xf32>,
        %parallel_loop3A_696 = arith.constant 16 : i32
        %parallel_loop3A_697 = arith.addi %parallel_loop3A_696, %parallel_loop3A_687 : i32
        %parallel_loop3A_698 = arith.index_cast %parallel_loop3A_697 : i32 to index
        %parallel_loop3A_699 = tpu.vector_load %arg11[%parallel_loop3A_698] {strides = array<i32>} : memref<4128xi32, #tpu.memory_space<vmem>>, vector<16xi32>,
        %parallel_loop3A_700 = arith.index_cast %parallel_loop3A_687 : i32 to index
        %parallel_loop3A_701 = tpu.vector_load %arg12[%parallel_loop3A_700] {strides = array<i32>} : memref<4096xf32, #tpu.memory_space<vmem>>, vector<16xf32>,
        %parallel_loop3A_702 = arith.index_cast %parallel_loop3A_689 : i32 to index
        %parallel_loop3A_703 = tpu.vector_load %arg8[%parallel_loop3A_702] {strides = array<i32>} : memref<4096xf32, #tpu.memory_space<vmem>>, vector<16xf32>,
        %parallel_loop3A_704 = arith.index_cast %parallel_loop3A_689 : i32 to index
        %parallel_loop3A_705 = tpu.vector_load %arg9[%parallel_loop3A_704] {strides = array<i32>} : memref<4096xf32, #tpu.memory_space<vmem>>, vector<16xf32>,
        %parallel_loop3A_706 = arith.index_cast %parallel_loop3A_689 : i32 to index
        %parallel_loop3A_707 = tpu.vector_load %arg10[%parallel_loop3A_706] {strides = array<i32>} : memref<4096xf32, #tpu.memory_space<vmem>>, vector<16xf32>,
        %parallel_loop3A_708 = arith.constant 16 : i32
        %parallel_loop3A_709 = arith.addi %parallel_loop3A_708, %parallel_loop3A_689 : i32
        %parallel_loop3A_710 = arith.index_cast %parallel_loop3A_709 : i32 to index
        %parallel_loop3A_711 = tpu.vector_load %arg11[%parallel_loop3A_710] {strides = array<i32>} : memref<4128xi32, #tpu.memory_space<vmem>>, vector<16xi32>,
        %parallel_loop3A_712 = arith.index_cast %parallel_loop3A_689 : i32 to index
        %parallel_loop3A_713 = tpu.vector_load %arg12[%parallel_loop3A_712] {strides = array<i32>} : memref<4096xf32, #tpu.memory_space<vmem>>, vector<16xf32>,
        %parallel_loop3A_714 = vector.broadcast %parallel_loop3A_687 : i32 to vector<16xi32>
        %parallel_loop3A_715 = arith.addi %iota3A, %parallel_loop3A_714 : vector<16xi32>
        %parallel_loop3A_716 = vector.broadcast %parallel_loop3A_689 : i32 to vector<16xi32>
        %parallel_loop3A_717 = arith.addi %iota3A, %parallel_loop3A_716 : vector<16xi32>
        %parallel_loop3A_718 = arith.mulf %parallel_loop3A_54, %parallel_loop3A_691 : vector<16xf32>
        %parallel_loop3A_719 = arith.mulf %parallel_loop3A_58, %parallel_loop3A_693 : vector<16xf32>
        %parallel_loop3A_720 = arith.addf %parallel_loop3A_718, %parallel_loop3A_719 : vector<16xf32>
        %parallel_loop3A_721 = arith.mulf %parallel_loop3A_62, %parallel_loop3A_695 : vector<16xf32>
        %parallel_loop3A_722 = arith.addf %parallel_loop3A_720, %parallel_loop3A_721 : vector<16xf32>
        %parallel_loop3A_723 = arith.addf %parallel_loop3A_63, %parallel_loop3A_701 : vector<16xf32>
        %parallel_loop3A_724 = arith.addf %parallel_loop3A_723, %parallel_loop3A_722 : vector<16xf32>
        %parallel_loop3A_725 = arith.constant 0.000000e+00 : f32
        %parallel_loop3A_726 = vector.broadcast %parallel_loop3A_725 : f32 to vector<16xf32>
        %parallel_loop3A_727 = arith.maximumf %parallel_loop3A_724, %parallel_loop3A_726 : vector<16xf32>
        %parallel_loop3A_728 = arith.cmpi eq, %parallel_loop3A_699, %parallel_loop3A_67 : vector<16xi32>
        %parallel_loop3A_729 = arith.cmpi ne, %parallel_loop3A_715, %parallel_loop3A_50 : vector<16xi32>
        %parallel_loop3A_730 = arith.andi %parallel_loop3A_728, %parallel_loop3A_729 : vector<16xi1>
        %parallel_loop3A_731 = arith.constant true
        %parallel_loop3A_732 = vector.broadcast %parallel_loop3A_731 : i1 to vector<16xi1>
        %parallel_loop3A_733 = arith.andi %parallel_loop3A_730, %parallel_loop3A_732 : vector<16xi1>
        %parallel_loop3A_734 = arith.constant 0x7F800000 : f32
        %parallel_loop3A_735 = vector.broadcast %parallel_loop3A_734 : f32 to vector<16xf32>
        %parallel_loop3A_736 = arith.select %parallel_loop3A_733, %parallel_loop3A_727, %parallel_loop3A_735 : vector<16xi1>, vector<16xf32>
        %parallel_loop3A_737 = arith.constant dense<true> : vector<16xi1>
        %parallel_loop3A_738, %parallel_loop3A_739, %parallel_loop3A_740 = tpu.sort %parallel_loop3A_736, %parallel_loop3A_715 masked %parallel_loop3A_737 : (vector<16xf32>, vector<16xi32>, vector<16xi1>) -> (vector<16xi1>, vector<16xf32>, vector<16xi32>)
        %parallel_loop3A_741 = arith.mulf %parallel_loop3A_54, %parallel_loop3A_703 : vector<16xf32>
        %parallel_loop3A_742 = arith.mulf %parallel_loop3A_58, %parallel_loop3A_705 : vector<16xf32>
        %parallel_loop3A_743 = arith.addf %parallel_loop3A_741, %parallel_loop3A_742 : vector<16xf32>
        %parallel_loop3A_744 = arith.mulf %parallel_loop3A_62, %parallel_loop3A_707 : vector<16xf32>
        %parallel_loop3A_745 = arith.addf %parallel_loop3A_743, %parallel_loop3A_744 : vector<16xf32>
        %parallel_loop3A_746 = arith.addf %parallel_loop3A_63, %parallel_loop3A_713 : vector<16xf32>
        %parallel_loop3A_747 = arith.addf %parallel_loop3A_746, %parallel_loop3A_745 : vector<16xf32>
        %parallel_loop3A_748 = arith.constant 0.000000e+00 : f32
        %parallel_loop3A_749 = vector.broadcast %parallel_loop3A_748 : f32 to vector<16xf32>
        %parallel_loop3A_750 = arith.maximumf %parallel_loop3A_747, %parallel_loop3A_749 : vector<16xf32>
        %parallel_loop3A_751 = arith.cmpi eq, %parallel_loop3A_711, %parallel_loop3A_67 : vector<16xi32>
        %parallel_loop3A_752 = arith.cmpi ne, %parallel_loop3A_717, %parallel_loop3A_50 : vector<16xi32>
        %parallel_loop3A_753 = arith.andi %parallel_loop3A_751, %parallel_loop3A_752 : vector<16xi1>
        %parallel_loop3A_754 = vector.broadcast %parallel_loop3A_685 : i1 to vector<16xi1>
        %parallel_loop3A_755 = arith.andi %parallel_loop3A_753, %parallel_loop3A_754 : vector<16xi1>
        %parallel_loop3A_756 = arith.constant 0x7F800000 : f32
        %parallel_loop3A_757 = vector.broadcast %parallel_loop3A_756 : f32 to vector<16xf32>
        %parallel_loop3A_758 = arith.select %parallel_loop3A_755, %parallel_loop3A_750, %parallel_loop3A_757 : vector<16xi1>, vector<16xf32>
        %parallel_loop3A_759 = arith.constant dense<true> : vector<16xi1>
        %parallel_loop3A_760, %parallel_loop3A_761, %parallel_loop3A_762 = tpu.sort %parallel_loop3A_758, %parallel_loop3A_717 masked %parallel_loop3A_759 {descending = true} : (vector<16xf32>, vector<16xi32>, vector<16xi1>) -> (vector<16xi1>, vector<16xf32>, vector<16xi32>)
        %parallel_loop3A_763 = arith.cmpf olt, %parallel_loop3A_739, %parallel_loop3A_761 : vector<16xf32>
        %parallel_loop3A_764 = arith.select %parallel_loop3A_763, %parallel_loop3A_739, %parallel_loop3A_761 : vector<16xi1>, vector<16xf32>
        %parallel_loop3A_765 = arith.select %parallel_loop3A_763, %parallel_loop3A_740, %parallel_loop3A_762 : vector<16xi1>, vector<16xi32>
        %parallel_loop3A_766 = arith.select %parallel_loop3A_763, %parallel_loop3A_761, %parallel_loop3A_739 : vector<16xi1>, vector<16xf32>
        %parallel_loop3A_767 = arith.select %parallel_loop3A_763, %parallel_loop3A_762, %parallel_loop3A_740 : vector<16xi1>, vector<16xi32>
        %parallel_loop3A_768 = arith.constant dense<true> : vector<16xi1>
        %parallel_loop3A_769, %parallel_loop3A_770, %parallel_loop3A_771 = tpu.sort %parallel_loop3A_764, %parallel_loop3A_765 masked %parallel_loop3A_768 {descending = true} : (vector<16xf32>, vector<16xi32>, vector<16xi1>) -> (vector<16xi1>, vector<16xf32>, vector<16xi32>)
        %parallel_loop3A_772 = arith.constant dense<true> : vector<16xi1>
        %parallel_loop3A_773, %parallel_loop3A_774, %parallel_loop3A_775 = tpu.sort %parallel_loop3A_766, %parallel_loop3A_767 masked %parallel_loop3A_772 {descending = true} : (vector<16xf32>, vector<16xi32>, vector<16xi1>) -> (vector<16xi1>, vector<16xf32>, vector<16xi32>)
        %parallel_loop3A_776 = arith.cmpf olt, %while3A_660, %parallel_loop3A_774 : vector<16xf32>
        %parallel_loop3A_777 = arith.select %parallel_loop3A_776, %while3A_660, %parallel_loop3A_774 : vector<16xi1>, vector<16xf32>
        %parallel_loop3A_778 = arith.select %parallel_loop3A_776, %while3A_661, %parallel_loop3A_775 : vector<16xi1>, vector<16xi32>
        %parallel_loop3A_779 = arith.cmpf olt, %while3A_662, %parallel_loop3A_770 : vector<16xf32>
        %parallel_loop3A_780 = arith.select %parallel_loop3A_779, %while3A_662, %parallel_loop3A_770 : vector<16xi1>, vector<16xf32>
        %parallel_loop3A_781 = arith.select %parallel_loop3A_779, %while3A_663, %parallel_loop3A_771 : vector<16xi1>, vector<16xi32>
        %parallel_loop3A_782 = arith.cmpf olt, %parallel_loop3A_777, %parallel_loop3A_780 : vector<16xf32>
        %parallel_loop3A_783 = arith.select %parallel_loop3A_782, %parallel_loop3A_777, %parallel_loop3A_780 : vector<16xi1>, vector<16xf32>
        %parallel_loop3A_784 = arith.select %parallel_loop3A_782, %parallel_loop3A_778, %parallel_loop3A_781 : vector<16xi1>, vector<16xi32>
        %parallel_loop3A_785 = arith.select %parallel_loop3A_782, %parallel_loop3A_780, %parallel_loop3A_777 : vector<16xi1>, vector<16xf32>
        %parallel_loop3A_786 = arith.select %parallel_loop3A_782, %parallel_loop3A_781, %parallel_loop3A_778 : vector<16xi1>, vector<16xi32>
        %parallel_loop3A_787 = arith.constant dense<true> : vector<16xi1>
        %parallel_loop3A_788, %parallel_loop3A_789, %parallel_loop3A_790 = tpu.sort %parallel_loop3A_783, %parallel_loop3A_784 masked %parallel_loop3A_787 : (vector<16xf32>, vector<16xi32>, vector<16xi1>) -> (vector<16xi1>, vector<16xf32>, vector<16xi32>)
        %parallel_loop3A_791 = arith.constant dense<true> : vector<16xi1>
        %parallel_loop3A_792, %parallel_loop3A_793, %parallel_loop3A_794 = tpu.sort %parallel_loop3A_785, %parallel_loop3A_786 masked %parallel_loop3A_791 : (vector<16xf32>, vector<16xi32>, vector<16xi1>) -> (vector<16xi1>, vector<16xf32>, vector<16xi32>)
        %parallel_loop3A_795 = arith.mulf %parallel_loop3A_72, %parallel_loop3A_691 : vector<16xf32>
        %parallel_loop3A_796 = arith.mulf %parallel_loop3A_76, %parallel_loop3A_693 : vector<16xf32>
        %parallel_loop3A_797 = arith.addf %parallel_loop3A_795, %parallel_loop3A_796 : vector<16xf32>
        %parallel_loop3A_798 = arith.mulf %parallel_loop3A_80, %parallel_loop3A_695 : vector<16xf32>
        %parallel_loop3A_799 = arith.addf %parallel_loop3A_797, %parallel_loop3A_798 : vector<16xf32>
        %parallel_loop3A_800 = arith.addf %parallel_loop3A_81, %parallel_loop3A_701 : vector<16xf32>
        %parallel_loop3A_801 = arith.addf %parallel_loop3A_800, %parallel_loop3A_799 : vector<16xf32>
        %parallel_loop3A_802 = arith.constant 0.000000e+00 : f32
        %parallel_loop3A_803 = vector.broadcast %parallel_loop3A_802 : f32 to vector<16xf32>
        %parallel_loop3A_804 = arith.maximumf %parallel_loop3A_801, %parallel_loop3A_803 : vector<16xf32>
        %parallel_loop3A_805 = arith.cmpi eq, %parallel_loop3A_699, %parallel_loop3A_85 : vector<16xi32>
        %parallel_loop3A_806 = arith.cmpi ne, %parallel_loop3A_715, %parallel_loop3A_68 : vector<16xi32>
        %parallel_loop3A_807 = arith.andi %parallel_loop3A_805, %parallel_loop3A_806 : vector<16xi1>
        %parallel_loop3A_808 = arith.constant true
        %parallel_loop3A_809 = vector.broadcast %parallel_loop3A_808 : i1 to vector<16xi1>
        %parallel_loop3A_810 = arith.andi %parallel_loop3A_807, %parallel_loop3A_809 : vector<16xi1>
        %parallel_loop3A_811 = arith.constant 0x7F800000 : f32
        %parallel_loop3A_812 = vector.broadcast %parallel_loop3A_811 : f32 to vector<16xf32>
        %parallel_loop3A_813 = arith.select %parallel_loop3A_810, %parallel_loop3A_804, %parallel_loop3A_812 : vector<16xi1>, vector<16xf32>
        %parallel_loop3A_814 = arith.constant dense<true> : vector<16xi1>
        %parallel_loop3A_815, %parallel_loop3A_816, %parallel_loop3A_817 = tpu.sort %parallel_loop3A_813, %parallel_loop3A_715 masked %parallel_loop3A_814 : (vector<16xf32>, vector<16xi32>, vector<16xi1>) -> (vector<16xi1>, vector<16xf32>, vector<16xi32>)
        %parallel_loop3A_818 = arith.mulf %parallel_loop3A_72, %parallel_loop3A_703 : vector<16xf32>
        %parallel_loop3A_819 = arith.mulf %parallel_loop3A_76, %parallel_loop3A_705 : vector<16xf32>
        %parallel_loop3A_820 = arith.addf %parallel_loop3A_818, %parallel_loop3A_819 : vector<16xf32>
        %parallel_loop3A_821 = arith.mulf %parallel_loop3A_80, %parallel_loop3A_707 : vector<16xf32>
        %parallel_loop3A_822 = arith.addf %parallel_loop3A_820, %parallel_loop3A_821 : vector<16xf32>
        %parallel_loop3A_823 = arith.addf %parallel_loop3A_81, %parallel_loop3A_713 : vector<16xf32>
        %parallel_loop3A_824 = arith.addf %parallel_loop3A_823, %parallel_loop3A_822 : vector<16xf32>
        %parallel_loop3A_825 = arith.constant 0.000000e+00 : f32
        %parallel_loop3A_826 = vector.broadcast %parallel_loop3A_825 : f32 to vector<16xf32>
        %parallel_loop3A_827 = arith.maximumf %parallel_loop3A_824, %parallel_loop3A_826 : vector<16xf32>
        %parallel_loop3A_828 = arith.cmpi eq, %parallel_loop3A_711, %parallel_loop3A_85 : vector<16xi32>
        %parallel_loop3A_829 = arith.cmpi ne, %parallel_loop3A_717, %parallel_loop3A_68 : vector<16xi32>
        %parallel_loop3A_830 = arith.andi %parallel_loop3A_828, %parallel_loop3A_829 : vector<16xi1>
        %parallel_loop3A_831 = vector.broadcast %parallel_loop3A_685 : i1 to vector<16xi1>
        %parallel_loop3A_832 = arith.andi %parallel_loop3A_830, %parallel_loop3A_831 : vector<16xi1>
        %parallel_loop3A_833 = arith.constant 0x7F800000 : f32
        %parallel_loop3A_834 = vector.broadcast %parallel_loop3A_833 : f32 to vector<16xf32>
        %parallel_loop3A_835 = arith.select %parallel_loop3A_832, %parallel_loop3A_827, %parallel_loop3A_834 : vector<16xi1>, vector<16xf32>
        %parallel_loop3A_836 = arith.constant dense<true> : vector<16xi1>
        %parallel_loop3A_837, %parallel_loop3A_838, %parallel_loop3A_839 = tpu.sort %parallel_loop3A_835, %parallel_loop3A_717 masked %parallel_loop3A_836 {descending = true} : (vector<16xf32>, vector<16xi32>, vector<16xi1>) -> (vector<16xi1>, vector<16xf32>, vector<16xi32>)
        %parallel_loop3A_840 = arith.cmpf olt, %parallel_loop3A_816, %parallel_loop3A_838 : vector<16xf32>
        %parallel_loop3A_841 = arith.select %parallel_loop3A_840, %parallel_loop3A_816, %parallel_loop3A_838 : vector<16xi1>, vector<16xf32>
        %parallel_loop3A_842 = arith.select %parallel_loop3A_840, %parallel_loop3A_817, %parallel_loop3A_839 : vector<16xi1>, vector<16xi32>
        %parallel_loop3A_843 = arith.select %parallel_loop3A_840, %parallel_loop3A_838, %parallel_loop3A_816 : vector<16xi1>, vector<16xf32>
        %parallel_loop3A_844 = arith.select %parallel_loop3A_840, %parallel_loop3A_839, %parallel_loop3A_817 : vector<16xi1>, vector<16xi32>
        %parallel_loop3A_845 = arith.constant dense<true> : vector<16xi1>
        %parallel_loop3A_846, %parallel_loop3A_847, %parallel_loop3A_848 = tpu.sort %parallel_loop3A_841, %parallel_loop3A_842 masked %parallel_loop3A_845 {descending = true} : (vector<16xf32>, vector<16xi32>, vector<16xi1>) -> (vector<16xi1>, vector<16xf32>, vector<16xi32>)
        %parallel_loop3A_849 = arith.constant dense<true> : vector<16xi1>
        %parallel_loop3A_850, %parallel_loop3A_851, %parallel_loop3A_852 = tpu.sort %parallel_loop3A_843, %parallel_loop3A_844 masked %parallel_loop3A_849 {descending = true} : (vector<16xf32>, vector<16xi32>, vector<16xi1>) -> (vector<16xi1>, vector<16xf32>, vector<16xi32>)
        %parallel_loop3A_853 = arith.cmpf olt, %while3A_664, %parallel_loop3A_851 : vector<16xf32>
        %parallel_loop3A_854 = arith.select %parallel_loop3A_853, %while3A_664, %parallel_loop3A_851 : vector<16xi1>, vector<16xf32>
        %parallel_loop3A_855 = arith.select %parallel_loop3A_853, %while3A_665, %parallel_loop3A_852 : vector<16xi1>, vector<16xi32>
        %parallel_loop3A_856 = arith.cmpf olt, %while3A_666, %parallel_loop3A_847 : vector<16xf32>
        %parallel_loop3A_857 = arith.select %parallel_loop3A_856, %while3A_666, %parallel_loop3A_847 : vector<16xi1>, vector<16xf32>
        %parallel_loop3A_858 = arith.select %parallel_loop3A_856, %while3A_667, %parallel_loop3A_848 : vector<16xi1>, vector<16xi32>
        %parallel_loop3A_859 = arith.cmpf olt, %parallel_loop3A_854, %parallel_loop3A_857 : vector<16xf32>
        %parallel_loop3A_860 = arith.select %parallel_loop3A_859, %parallel_loop3A_854, %parallel_loop3A_857 : vector<16xi1>, vector<16xf32>
        %parallel_loop3A_861 = arith.select %parallel_loop3A_859, %parallel_loop3A_855, %parallel_loop3A_858 : vector<16xi1>, vector<16xi32>
        %parallel_loop3A_862 = arith.select %parallel_loop3A_859, %parallel_loop3A_857, %parallel_loop3A_854 : vector<16xi1>, vector<16xf32>
        %parallel_loop3A_863 = arith.select %parallel_loop3A_859, %parallel_loop3A_858, %parallel_loop3A_855 : vector<16xi1>, vector<16xi32>
        %parallel_loop3A_864 = arith.constant dense<true> : vector<16xi1>
        %parallel_loop3A_865, %parallel_loop3A_866, %parallel_loop3A_867 = tpu.sort %parallel_loop3A_860, %parallel_loop3A_861 masked %parallel_loop3A_864 : (vector<16xf32>, vector<16xi32>, vector<16xi1>) -> (vector<16xi1>, vector<16xf32>, vector<16xi32>)
        %parallel_loop3A_868 = arith.constant dense<true> : vector<16xi1>
        %parallel_loop3A_869, %parallel_loop3A_870, %parallel_loop3A_871 = tpu.sort %parallel_loop3A_862, %parallel_loop3A_863 masked %parallel_loop3A_868 : (vector<16xf32>, vector<16xi32>, vector<16xi1>) -> (vector<16xi1>, vector<16xf32>, vector<16xi32>)
        %parallel_loop3A_872 = arith.mulf %parallel_loop3A_90, %parallel_loop3A_691 : vector<16xf32>
        %parallel_loop3A_873 = arith.mulf %parallel_loop3A_94, %parallel_loop3A_693 : vector<16xf32>
        %parallel_loop3A_874 = arith.addf %parallel_loop3A_872, %parallel_loop3A_873 : vector<16xf32>
        %parallel_loop3A_875 = arith.mulf %parallel_loop3A_98, %parallel_loop3A_695 : vector<16xf32>
        %parallel_loop3A_876 = arith.addf %parallel_loop3A_874, %parallel_loop3A_875 : vector<16xf32>
        %parallel_loop3A_877 = arith.addf %parallel_loop3A_99, %parallel_loop3A_701 : vector<16xf32>
        %parallel_loop3A_878 = arith.addf %parallel_loop3A_877, %parallel_loop3A_876 : vector<16xf32>
        %parallel_loop3A_879 = arith.constant 0.000000e+00 : f32
        %parallel_loop3A_880 = vector.broadcast %parallel_loop3A_879 : f32 to vector<16xf32>
        %parallel_loop3A_881 = arith.maximumf %parallel_loop3A_878, %parallel_loop3A_880 : vector<16xf32>
        %parallel_loop3A_882 = arith.cmpi eq, %parallel_loop3A_699, %parallel_loop3A_103 : vector<16xi32>
        %parallel_loop3A_883 = arith.cmpi ne, %parallel_loop3A_715, %parallel_loop3A_86 : vector<16xi32>
        %parallel_loop3A_884 = arith.andi %parallel_loop3A_882, %parallel_loop3A_883 : vector<16xi1>
        %parallel_loop3A_885 = arith.constant true
        %parallel_loop3A_886 = vector.broadcast %parallel_loop3A_885 : i1 to vector<16xi1>
        %parallel_loop3A_887 = arith.andi %parallel_loop3A_884, %parallel_loop3A_886 : vector<16xi1>
        %parallel_loop3A_888 = arith.constant 0x7F800000 : f32
        %parallel_loop3A_889 = vector.broadcast %parallel_loop3A_888 : f32 to vector<16xf32>
        %parallel_loop3A_890 = arith.select %parallel_loop3A_887, %parallel_loop3A_881, %parallel_loop3A_889 : vector<16xi1>, vector<16xf32>
        %parallel_loop3A_891 = arith.constant dense<true> : vector<16xi1>
        %parallel_loop3A_892, %parallel_loop3A_893, %parallel_loop3A_894 = tpu.sort %parallel_loop3A_890, %parallel_loop3A_715 masked %parallel_loop3A_891 : (vector<16xf32>, vector<16xi32>, vector<16xi1>) -> (vector<16xi1>, vector<16xf32>, vector<16xi32>)
        %parallel_loop3A_895 = arith.mulf %parallel_loop3A_90, %parallel_loop3A_703 : vector<16xf32>
        %parallel_loop3A_896 = arith.mulf %parallel_loop3A_94, %parallel_loop3A_705 : vector<16xf32>
        %parallel_loop3A_897 = arith.addf %parallel_loop3A_895, %parallel_loop3A_896 : vector<16xf32>
        %parallel_loop3A_898 = arith.mulf %parallel_loop3A_98, %parallel_loop3A_707 : vector<16xf32>
        %parallel_loop3A_899 = arith.addf %parallel_loop3A_897, %parallel_loop3A_898 : vector<16xf32>
        %parallel_loop3A_900 = arith.addf %parallel_loop3A_99, %parallel_loop3A_713 : vector<16xf32>
        %parallel_loop3A_901 = arith.addf %parallel_loop3A_900, %parallel_loop3A_899 : vector<16xf32>
        %parallel_loop3A_902 = arith.constant 0.000000e+00 : f32
        %parallel_loop3A_903 = vector.broadcast %parallel_loop3A_902 : f32 to vector<16xf32>
        %parallel_loop3A_904 = arith.maximumf %parallel_loop3A_901, %parallel_loop3A_903 : vector<16xf32>
        %parallel_loop3A_905 = arith.cmpi eq, %parallel_loop3A_711, %parallel_loop3A_103 : vector<16xi32>
        %parallel_loop3A_906 = arith.cmpi ne, %parallel_loop3A_717, %parallel_loop3A_86 : vector<16xi32>
        %parallel_loop3A_907 = arith.andi %parallel_loop3A_905, %parallel_loop3A_906 : vector<16xi1>
        %parallel_loop3A_908 = vector.broadcast %parallel_loop3A_685 : i1 to vector<16xi1>
        %parallel_loop3A_909 = arith.andi %parallel_loop3A_907, %parallel_loop3A_908 : vector<16xi1>
        %parallel_loop3A_910 = arith.constant 0x7F800000 : f32
        %parallel_loop3A_911 = vector.broadcast %parallel_loop3A_910 : f32 to vector<16xf32>
        %parallel_loop3A_912 = arith.select %parallel_loop3A_909, %parallel_loop3A_904, %parallel_loop3A_911 : vector<16xi1>, vector<16xf32>
        %parallel_loop3A_913 = arith.constant dense<true> : vector<16xi1>
        %parallel_loop3A_914, %parallel_loop3A_915, %parallel_loop3A_916 = tpu.sort %parallel_loop3A_912, %parallel_loop3A_717 masked %parallel_loop3A_913 {descending = true} : (vector<16xf32>, vector<16xi32>, vector<16xi1>) -> (vector<16xi1>, vector<16xf32>, vector<16xi32>)
        %parallel_loop3A_917 = arith.cmpf olt, %parallel_loop3A_893, %parallel_loop3A_915 : vector<16xf32>
        %parallel_loop3A_918 = arith.select %parallel_loop3A_917, %parallel_loop3A_893, %parallel_loop3A_915 : vector<16xi1>, vector<16xf32>
        %parallel_loop3A_919 = arith.select %parallel_loop3A_917, %parallel_loop3A_894, %parallel_loop3A_916 : vector<16xi1>, vector<16xi32>
        %parallel_loop3A_920 = arith.select %parallel_loop3A_917, %parallel_loop3A_915, %parallel_loop3A_893 : vector<16xi1>, vector<16xf32>
        %parallel_loop3A_921 = arith.select %parallel_loop3A_917, %parallel_loop3A_916, %parallel_loop3A_894 : vector<16xi1>, vector<16xi32>
        %parallel_loop3A_922 = arith.constant dense<true> : vector<16xi1>
        %parallel_loop3A_923, %parallel_loop3A_924, %parallel_loop3A_925 = tpu.sort %parallel_loop3A_918, %parallel_loop3A_919 masked %parallel_loop3A_922 {descending = true} : (vector<16xf32>, vector<16xi32>, vector<16xi1>) -> (vector<16xi1>, vector<16xf32>, vector<16xi32>)
        %parallel_loop3A_926 = arith.constant dense<true> : vector<16xi1>
        %parallel_loop3A_927, %parallel_loop3A_928, %parallel_loop3A_929 = tpu.sort %parallel_loop3A_920, %parallel_loop3A_921 masked %parallel_loop3A_926 {descending = true} : (vector<16xf32>, vector<16xi32>, vector<16xi1>) -> (vector<16xi1>, vector<16xf32>, vector<16xi32>)
        %parallel_loop3A_930 = arith.cmpf olt, %while3A_668, %parallel_loop3A_928 : vector<16xf32>
        %parallel_loop3A_931 = arith.select %parallel_loop3A_930, %while3A_668, %parallel_loop3A_928 : vector<16xi1>, vector<16xf32>
        %parallel_loop3A_932 = arith.select %parallel_loop3A_930, %while3A_669, %parallel_loop3A_929 : vector<16xi1>, vector<16xi32>
        %parallel_loop3A_933 = arith.cmpf olt, %while3A_670, %parallel_loop3A_924 : vector<16xf32>
        %parallel_loop3A_934 = arith.select %parallel_loop3A_933, %while3A_670, %parallel_loop3A_924 : vector<16xi1>, vector<16xf32>
        %parallel_loop3A_935 = arith.select %parallel_loop3A_933, %while3A_671, %parallel_loop3A_925 : vector<16xi1>, vector<16xi32>
        %parallel_loop3A_936 = arith.cmpf olt, %parallel_loop3A_931, %parallel_loop3A_934 : vector<16xf32>
        %parallel_loop3A_937 = arith.select %parallel_loop3A_936, %parallel_loop3A_931, %parallel_loop3A_934 : vector<16xi1>, vector<16xf32>
        %parallel_loop3A_938 = arith.select %parallel_loop3A_936, %parallel_loop3A_932, %parallel_loop3A_935 : vector<16xi1>, vector<16xi32>
        %parallel_loop3A_939 = arith.select %parallel_loop3A_936, %parallel_loop3A_934, %parallel_loop3A_931 : vector<16xi1>, vector<16xf32>
        %parallel_loop3A_940 = arith.select %parallel_loop3A_936, %parallel_loop3A_935, %parallel_loop3A_932 : vector<16xi1>, vector<16xi32>
        %parallel_loop3A_941 = arith.constant dense<true> : vector<16xi1>
        %parallel_loop3A_942, %parallel_loop3A_943, %parallel_loop3A_944 = tpu.sort %parallel_loop3A_937, %parallel_loop3A_938 masked %parallel_loop3A_941 : (vector<16xf32>, vector<16xi32>, vector<16xi1>) -> (vector<16xi1>, vector<16xf32>, vector<16xi32>)
        %parallel_loop3A_945 = arith.constant dense<true> : vector<16xi1>
        %parallel_loop3A_946, %parallel_loop3A_947, %parallel_loop3A_948 = tpu.sort %parallel_loop3A_939, %parallel_loop3A_940 masked %parallel_loop3A_945 : (vector<16xf32>, vector<16xi32>, vector<16xi1>) -> (vector<16xi1>, vector<16xf32>, vector<16xi32>)
        %parallel_loop3A_949 = arith.mulf %parallel_loop3A_108, %parallel_loop3A_691 : vector<16xf32>
        %parallel_loop3A_950 = arith.mulf %parallel_loop3A_112, %parallel_loop3A_693 : vector<16xf32>
        %parallel_loop3A_951 = arith.addf %parallel_loop3A_949, %parallel_loop3A_950 : vector<16xf32>
        %parallel_loop3A_952 = arith.mulf %parallel_loop3A_116, %parallel_loop3A_695 : vector<16xf32>
        %parallel_loop3A_953 = arith.addf %parallel_loop3A_951, %parallel_loop3A_952 : vector<16xf32>
        %parallel_loop3A_954 = arith.addf %parallel_loop3A_117, %parallel_loop3A_701 : vector<16xf32>
        %parallel_loop3A_955 = arith.addf %parallel_loop3A_954, %parallel_loop3A_953 : vector<16xf32>
        %parallel_loop3A_956 = arith.constant 0.000000e+00 : f32
        %parallel_loop3A_957 = vector.broadcast %parallel_loop3A_956 : f32 to vector<16xf32>
        %parallel_loop3A_958 = arith.maximumf %parallel_loop3A_955, %parallel_loop3A_957 : vector<16xf32>
        %parallel_loop3A_959 = arith.cmpi eq, %parallel_loop3A_699, %parallel_loop3A_121 : vector<16xi32>
        %parallel_loop3A_960 = arith.cmpi ne, %parallel_loop3A_715, %parallel_loop3A_104 : vector<16xi32>
        %parallel_loop3A_961 = arith.andi %parallel_loop3A_959, %parallel_loop3A_960 : vector<16xi1>
        %parallel_loop3A_962 = arith.constant true
        %parallel_loop3A_963 = vector.broadcast %parallel_loop3A_962 : i1 to vector<16xi1>
        %parallel_loop3A_964 = arith.andi %parallel_loop3A_961, %parallel_loop3A_963 : vector<16xi1>
        %parallel_loop3A_965 = arith.constant 0x7F800000 : f32
        %parallel_loop3A_966 = vector.broadcast %parallel_loop3A_965 : f32 to vector<16xf32>
        %parallel_loop3A_967 = arith.select %parallel_loop3A_964, %parallel_loop3A_958, %parallel_loop3A_966 : vector<16xi1>, vector<16xf32>
        %parallel_loop3A_968 = arith.constant dense<true> : vector<16xi1>
        %parallel_loop3A_969, %parallel_loop3A_970, %parallel_loop3A_971 = tpu.sort %parallel_loop3A_967, %parallel_loop3A_715 masked %parallel_loop3A_968 : (vector<16xf32>, vector<16xi32>, vector<16xi1>) -> (vector<16xi1>, vector<16xf32>, vector<16xi32>)
        %parallel_loop3A_972 = arith.mulf %parallel_loop3A_108, %parallel_loop3A_703 : vector<16xf32>
        %parallel_loop3A_973 = arith.mulf %parallel_loop3A_112, %parallel_loop3A_705 : vector<16xf32>
        %parallel_loop3A_974 = arith.addf %parallel_loop3A_972, %parallel_loop3A_973 : vector<16xf32>
        %parallel_loop3A_975 = arith.mulf %parallel_loop3A_116, %parallel_loop3A_707 : vector<16xf32>
        %parallel_loop3A_976 = arith.addf %parallel_loop3A_974, %parallel_loop3A_975 : vector<16xf32>
        %parallel_loop3A_977 = arith.addf %parallel_loop3A_117, %parallel_loop3A_713 : vector<16xf32>
        %parallel_loop3A_978 = arith.addf %parallel_loop3A_977, %parallel_loop3A_976 : vector<16xf32>
        %parallel_loop3A_979 = arith.constant 0.000000e+00 : f32
        %parallel_loop3A_980 = vector.broadcast %parallel_loop3A_979 : f32 to vector<16xf32>
        %parallel_loop3A_981 = arith.maximumf %parallel_loop3A_978, %parallel_loop3A_980 : vector<16xf32>
        %parallel_loop3A_982 = arith.cmpi eq, %parallel_loop3A_711, %parallel_loop3A_121 : vector<16xi32>
        %parallel_loop3A_983 = arith.cmpi ne, %parallel_loop3A_717, %parallel_loop3A_104 : vector<16xi32>
        %parallel_loop3A_984 = arith.andi %parallel_loop3A_982, %parallel_loop3A_983 : vector<16xi1>
        %parallel_loop3A_985 = vector.broadcast %parallel_loop3A_685 : i1 to vector<16xi1>
        %parallel_loop3A_986 = arith.andi %parallel_loop3A_984, %parallel_loop3A_985 : vector<16xi1>
        %parallel_loop3A_987 = arith.constant 0x7F800000 : f32
        %parallel_loop3A_988 = vector.broadcast %parallel_loop3A_987 : f32 to vector<16xf32>
        %parallel_loop3A_989 = arith.select %parallel_loop3A_986, %parallel_loop3A_981, %parallel_loop3A_988 : vector<16xi1>, vector<16xf32>
        %parallel_loop3A_990 = arith.constant dense<true> : vector<16xi1>
        %parallel_loop3A_991, %parallel_loop3A_992, %parallel_loop3A_993 = tpu.sort %parallel_loop3A_989, %parallel_loop3A_717 masked %parallel_loop3A_990 {descending = true} : (vector<16xf32>, vector<16xi32>, vector<16xi1>) -> (vector<16xi1>, vector<16xf32>, vector<16xi32>)
        %parallel_loop3A_994 = arith.cmpf olt, %parallel_loop3A_970, %parallel_loop3A_992 : vector<16xf32>
        %parallel_loop3A_995 = arith.select %parallel_loop3A_994, %parallel_loop3A_970, %parallel_loop3A_992 : vector<16xi1>, vector<16xf32>
        %parallel_loop3A_996 = arith.select %parallel_loop3A_994, %parallel_loop3A_971, %parallel_loop3A_993 : vector<16xi1>, vector<16xi32>
        %parallel_loop3A_997 = arith.select %parallel_loop3A_994, %parallel_loop3A_992, %parallel_loop3A_970 : vector<16xi1>, vector<16xf32>
        %parallel_loop3A_998 = arith.select %parallel_loop3A_994, %parallel_loop3A_993, %parallel_loop3A_971 : vector<16xi1>, vector<16xi32>
        %parallel_loop3A_999 = arith.constant dense<true> : vector<16xi1>
        %parallel_loop3A_1000, %parallel_loop3A_1001, %parallel_loop3A_1002 = tpu.sort %parallel_loop3A_995, %parallel_loop3A_996 masked %parallel_loop3A_999 {descending = true} : (vector<16xf32>, vector<16xi32>, vector<16xi1>) -> (vector<16xi1>, vector<16xf32>, vector<16xi32>)
        %parallel_loop3A_1003 = arith.constant dense<true> : vector<16xi1>
        %parallel_loop3A_1004, %parallel_loop3A_1005, %parallel_loop3A_1006 = tpu.sort %parallel_loop3A_997, %parallel_loop3A_998 masked %parallel_loop3A_1003 {descending = true} : (vector<16xf32>, vector<16xi32>, vector<16xi1>) -> (vector<16xi1>, vector<16xf32>, vector<16xi32>)
        %parallel_loop3A_1007 = arith.cmpf olt, %while3A_672, %parallel_loop3A_1005 : vector<16xf32>
        %parallel_loop3A_1008 = arith.select %parallel_loop3A_1007, %while3A_672, %parallel_loop3A_1005 : vector<16xi1>, vector<16xf32>
        %parallel_loop3A_1009 = arith.select %parallel_loop3A_1007, %while3A_673, %parallel_loop3A_1006 : vector<16xi1>, vector<16xi32>
        %parallel_loop3A_1010 = arith.cmpf olt, %while3A_674, %parallel_loop3A_1001 : vector<16xf32>
        %parallel_loop3A_1011 = arith.select %parallel_loop3A_1010, %while3A_674, %parallel_loop3A_1001 : vector<16xi1>, vector<16xf32>
        %parallel_loop3A_1012 = arith.select %parallel_loop3A_1010, %while3A_675, %parallel_loop3A_1002 : vector<16xi1>, vector<16xi32>
        %parallel_loop3A_1013 = arith.cmpf olt, %parallel_loop3A_1008, %parallel_loop3A_1011 : vector<16xf32>
        %parallel_loop3A_1014 = arith.select %parallel_loop3A_1013, %parallel_loop3A_1008, %parallel_loop3A_1011 : vector<16xi1>, vector<16xf32>
        %parallel_loop3A_1015 = arith.select %parallel_loop3A_1013, %parallel_loop3A_1009, %parallel_loop3A_1012 : vector<16xi1>, vector<16xi32>
        %parallel_loop3A_1016 = arith.select %parallel_loop3A_1013, %parallel_loop3A_1011, %parallel_loop3A_1008 : vector<16xi1>, vector<16xf32>
        %parallel_loop3A_1017 = arith.select %parallel_loop3A_1013, %parallel_loop3A_1012, %parallel_loop3A_1009 : vector<16xi1>, vector<16xi32>
        %parallel_loop3A_1018 = arith.constant dense<true> : vector<16xi1>
        %parallel_loop3A_1019, %parallel_loop3A_1020, %parallel_loop3A_1021 = tpu.sort %parallel_loop3A_1014, %parallel_loop3A_1015 masked %parallel_loop3A_1018 : (vector<16xf32>, vector<16xi32>, vector<16xi1>) -> (vector<16xi1>, vector<16xf32>, vector<16xi32>)
        %parallel_loop3A_1022 = arith.constant dense<true> : vector<16xi1>
        %parallel_loop3A_1023, %parallel_loop3A_1024, %parallel_loop3A_1025 = tpu.sort %parallel_loop3A_1016, %parallel_loop3A_1017 masked %parallel_loop3A_1022 : (vector<16xf32>, vector<16xi32>, vector<16xi1>) -> (vector<16xi1>, vector<16xf32>, vector<16xi32>)
        scf.yield %parallel_loop3A_789, %parallel_loop3A_790, %parallel_loop3A_793, %parallel_loop3A_794, %parallel_loop3A_866, %parallel_loop3A_867, %parallel_loop3A_870, %parallel_loop3A_871, %parallel_loop3A_943, %parallel_loop3A_944, %parallel_loop3A_947, %parallel_loop3A_948, %parallel_loop3A_1020, %parallel_loop3A_1021, %parallel_loop3A_1024, %parallel_loop3A_1025 : vector<16xf32>, vector<16xi32>, vector<16xf32>, vector<16xi32>, vector<16xf32>, vector<16xi32>, vector<16xf32>, vector<16xi32>, vector<16xf32>, vector<16xi32>, vector<16xf32>, vector<16xi32>, vector<16xf32>, vector<16xi32>, vector<16xf32>, vector<16xi32>
      }
      %parallel_loop3A_226 = arith.constant 1 : i32
      %parallel_loop3A_227:16 = scf.for %while3A = %parallel_loop3A_223 to %parallel_loop3A_219 step %parallel_loop3A_226 iter_args(%while3A_660 = %parallel_loop3A_225#0, %while3A_661 = %parallel_loop3A_225#1, %while3A_662 = %parallel_loop3A_225#2, %while3A_663 = %parallel_loop3A_225#3, %while3A_664 = %parallel_loop3A_225#4, %while3A_665 = %parallel_loop3A_225#5, %while3A_666 = %parallel_loop3A_225#6, %while3A_667 = %parallel_loop3A_225#7, %while3A_668 = %parallel_loop3A_225#8, %while3A_669 = %parallel_loop3A_225#9, %while3A_670 = %parallel_loop3A_225#10, %while3A_671 = %parallel_loop3A_225#11, %while3A_672 = %parallel_loop3A_225#12, %while3A_673 = %parallel_loop3A_225#13, %while3A_674 = %parallel_loop3A_225#14, %while3A_675 = %parallel_loop3A_225#15) -> (vector<16xf32>, vector<16xi32>, vector<16xf32>, vector<16xi32>, vector<16xf32>, vector<16xi32>, vector<16xf32>, vector<16xi32>, vector<16xf32>, vector<16xi32>, vector<16xf32>, vector<16xi32>, vector<16xf32>, vector<16xi32>, vector<16xf32>, vector<16xi32>)  : i32 {
        %parallel_loop3A_676 = arith.constant 2 : i32
        %parallel_loop3A_677 = arith.muli %parallel_loop3A_676, %while3A : i32
        %parallel_loop3A_678 = arith.addi %parallel_loop3A_163, %parallel_loop3A_677 : i32
        %parallel_loop3A_679 = arith.constant 1 : i32
        %parallel_loop3A_680 = arith.addi %parallel_loop3A_678, %parallel_loop3A_679 : i32
        %parallel_loop3A_681 = arith.constant 255 : i32
        %parallel_loop3A_682 = arith.minsi %parallel_loop3A_680, %parallel_loop3A_681 : i32
        %parallel_loop3A_683 = arith.constant 1 : i32
        %parallel_loop3A_684 = arith.addi %parallel_loop3A_678, %parallel_loop3A_683 : i32
        %parallel_loop3A_685 = arith.cmpi slt, %parallel_loop3A_684, %parallel_loop3A_189 : i32
        %parallel_loop3A_686 = arith.constant 16 : i32
        %parallel_loop3A_687 = arith.muli %parallel_loop3A_678, %parallel_loop3A_686 : i32
        %parallel_loop3A_688 = arith.constant 16 : i32
        %parallel_loop3A_689 = arith.muli %parallel_loop3A_682, %parallel_loop3A_688 : i32
        %parallel_loop3A_690 = arith.index_cast %parallel_loop3A_687 : i32 to index
        %parallel_loop3A_691 = tpu.vector_load %arg8[%parallel_loop3A_690] {strides = array<i32>} : memref<4096xf32, #tpu.memory_space<vmem>>, vector<16xf32>,
        %parallel_loop3A_692 = arith.index_cast %parallel_loop3A_687 : i32 to index
        %parallel_loop3A_693 = tpu.vector_load %arg9[%parallel_loop3A_692] {strides = array<i32>} : memref<4096xf32, #tpu.memory_space<vmem>>, vector<16xf32>,
        %parallel_loop3A_694 = arith.index_cast %parallel_loop3A_687 : i32 to index
        %parallel_loop3A_695 = tpu.vector_load %arg10[%parallel_loop3A_694] {strides = array<i32>} : memref<4096xf32, #tpu.memory_space<vmem>>, vector<16xf32>,
        %parallel_loop3A_696 = arith.constant 16 : i32
        %parallel_loop3A_697 = arith.addi %parallel_loop3A_696, %parallel_loop3A_687 : i32
        %parallel_loop3A_698 = arith.index_cast %parallel_loop3A_697 : i32 to index
        %parallel_loop3A_699 = tpu.vector_load %arg11[%parallel_loop3A_698] {strides = array<i32>} : memref<4128xi32, #tpu.memory_space<vmem>>, vector<16xi32>,
        %parallel_loop3A_700 = arith.index_cast %parallel_loop3A_687 : i32 to index
        %parallel_loop3A_701 = tpu.vector_load %arg12[%parallel_loop3A_700] {strides = array<i32>} : memref<4096xf32, #tpu.memory_space<vmem>>, vector<16xf32>,
        %parallel_loop3A_702 = arith.index_cast %parallel_loop3A_689 : i32 to index
        %parallel_loop3A_703 = tpu.vector_load %arg8[%parallel_loop3A_702] {strides = array<i32>} : memref<4096xf32, #tpu.memory_space<vmem>>, vector<16xf32>,
        %parallel_loop3A_704 = arith.index_cast %parallel_loop3A_689 : i32 to index
        %parallel_loop3A_705 = tpu.vector_load %arg9[%parallel_loop3A_704] {strides = array<i32>} : memref<4096xf32, #tpu.memory_space<vmem>>, vector<16xf32>,
        %parallel_loop3A_706 = arith.index_cast %parallel_loop3A_689 : i32 to index
        %parallel_loop3A_707 = tpu.vector_load %arg10[%parallel_loop3A_706] {strides = array<i32>} : memref<4096xf32, #tpu.memory_space<vmem>>, vector<16xf32>,
        %parallel_loop3A_708 = arith.constant 16 : i32
        %parallel_loop3A_709 = arith.addi %parallel_loop3A_708, %parallel_loop3A_689 : i32
        %parallel_loop3A_710 = arith.index_cast %parallel_loop3A_709 : i32 to index
        %parallel_loop3A_711 = tpu.vector_load %arg11[%parallel_loop3A_710] {strides = array<i32>} : memref<4128xi32, #tpu.memory_space<vmem>>, vector<16xi32>,
        %parallel_loop3A_712 = arith.index_cast %parallel_loop3A_689 : i32 to index
        %parallel_loop3A_713 = tpu.vector_load %arg12[%parallel_loop3A_712] {strides = array<i32>} : memref<4096xf32, #tpu.memory_space<vmem>>, vector<16xf32>,
        %parallel_loop3A_714 = vector.broadcast %parallel_loop3A_687 : i32 to vector<16xi32>
        %parallel_loop3A_715 = arith.addi %iota3A, %parallel_loop3A_714 : vector<16xi32>
        %parallel_loop3A_716 = vector.broadcast %parallel_loop3A_689 : i32 to vector<16xi32>
        %parallel_loop3A_717 = arith.addi %iota3A, %parallel_loop3A_716 : vector<16xi32>
        %parallel_loop3A_718 = arith.mulf %parallel_loop3A_54, %parallel_loop3A_691 : vector<16xf32>
        %parallel_loop3A_719 = arith.mulf %parallel_loop3A_58, %parallel_loop3A_693 : vector<16xf32>
        %parallel_loop3A_720 = arith.addf %parallel_loop3A_718, %parallel_loop3A_719 : vector<16xf32>
        %parallel_loop3A_721 = arith.mulf %parallel_loop3A_62, %parallel_loop3A_695 : vector<16xf32>
        %parallel_loop3A_722 = arith.addf %parallel_loop3A_720, %parallel_loop3A_721 : vector<16xf32>
        %parallel_loop3A_723 = arith.addf %parallel_loop3A_63, %parallel_loop3A_701 : vector<16xf32>
        %parallel_loop3A_724 = arith.addf %parallel_loop3A_723, %parallel_loop3A_722 : vector<16xf32>
        %parallel_loop3A_725 = arith.constant 0.000000e+00 : f32
        %parallel_loop3A_726 = vector.broadcast %parallel_loop3A_725 : f32 to vector<16xf32>
        %parallel_loop3A_727 = arith.maximumf %parallel_loop3A_724, %parallel_loop3A_726 : vector<16xf32>
        %parallel_loop3A_728 = arith.cmpi eq, %parallel_loop3A_699, %parallel_loop3A_67 : vector<16xi32>
        %parallel_loop3A_729 = arith.cmpi ne, %parallel_loop3A_715, %parallel_loop3A_50 : vector<16xi32>
        %parallel_loop3A_730 = arith.andi %parallel_loop3A_728, %parallel_loop3A_729 : vector<16xi1>
        %parallel_loop3A_731 = arith.constant true
        %parallel_loop3A_732 = vector.broadcast %parallel_loop3A_731 : i1 to vector<16xi1>
        %parallel_loop3A_733 = arith.andi %parallel_loop3A_730, %parallel_loop3A_732 : vector<16xi1>
        %parallel_loop3A_734 = arith.constant 0x7F800000 : f32
        %parallel_loop3A_735 = vector.broadcast %parallel_loop3A_734 : f32 to vector<16xf32>
        %parallel_loop3A_736 = arith.select %parallel_loop3A_733, %parallel_loop3A_727, %parallel_loop3A_735 : vector<16xi1>, vector<16xf32>
        %parallel_loop3A_737 = arith.constant dense<true> : vector<16xi1>
        %parallel_loop3A_738, %parallel_loop3A_739, %parallel_loop3A_740 = tpu.sort %parallel_loop3A_736, %parallel_loop3A_715 masked %parallel_loop3A_737 : (vector<16xf32>, vector<16xi32>, vector<16xi1>) -> (vector<16xi1>, vector<16xf32>, vector<16xi32>)
        %parallel_loop3A_741 = arith.mulf %parallel_loop3A_54, %parallel_loop3A_703 : vector<16xf32>
        %parallel_loop3A_742 = arith.mulf %parallel_loop3A_58, %parallel_loop3A_705 : vector<16xf32>
        %parallel_loop3A_743 = arith.addf %parallel_loop3A_741, %parallel_loop3A_742 : vector<16xf32>
        %parallel_loop3A_744 = arith.mulf %parallel_loop3A_62, %parallel_loop3A_707 : vector<16xf32>
        %parallel_loop3A_745 = arith.addf %parallel_loop3A_743, %parallel_loop3A_744 : vector<16xf32>
        %parallel_loop3A_746 = arith.addf %parallel_loop3A_63, %parallel_loop3A_713 : vector<16xf32>
        %parallel_loop3A_747 = arith.addf %parallel_loop3A_746, %parallel_loop3A_745 : vector<16xf32>
        %parallel_loop3A_748 = arith.constant 0.000000e+00 : f32
        %parallel_loop3A_749 = vector.broadcast %parallel_loop3A_748 : f32 to vector<16xf32>
        %parallel_loop3A_750 = arith.maximumf %parallel_loop3A_747, %parallel_loop3A_749 : vector<16xf32>
        %parallel_loop3A_751 = arith.cmpi eq, %parallel_loop3A_711, %parallel_loop3A_67 : vector<16xi32>
        %parallel_loop3A_752 = arith.cmpi ne, %parallel_loop3A_717, %parallel_loop3A_50 : vector<16xi32>
        %parallel_loop3A_753 = arith.andi %parallel_loop3A_751, %parallel_loop3A_752 : vector<16xi1>
        %parallel_loop3A_754 = vector.broadcast %parallel_loop3A_685 : i1 to vector<16xi1>
        %parallel_loop3A_755 = arith.andi %parallel_loop3A_753, %parallel_loop3A_754 : vector<16xi1>
        %parallel_loop3A_756 = arith.constant 0x7F800000 : f32
        %parallel_loop3A_757 = vector.broadcast %parallel_loop3A_756 : f32 to vector<16xf32>
        %parallel_loop3A_758 = arith.select %parallel_loop3A_755, %parallel_loop3A_750, %parallel_loop3A_757 : vector<16xi1>, vector<16xf32>
        %parallel_loop3A_759 = arith.constant dense<true> : vector<16xi1>
        %parallel_loop3A_760, %parallel_loop3A_761, %parallel_loop3A_762 = tpu.sort %parallel_loop3A_758, %parallel_loop3A_717 masked %parallel_loop3A_759 {descending = true} : (vector<16xf32>, vector<16xi32>, vector<16xi1>) -> (vector<16xi1>, vector<16xf32>, vector<16xi32>)
        %parallel_loop3A_763 = arith.cmpf olt, %parallel_loop3A_739, %parallel_loop3A_761 : vector<16xf32>
        %parallel_loop3A_764 = arith.select %parallel_loop3A_763, %parallel_loop3A_739, %parallel_loop3A_761 : vector<16xi1>, vector<16xf32>
        %parallel_loop3A_765 = arith.select %parallel_loop3A_763, %parallel_loop3A_740, %parallel_loop3A_762 : vector<16xi1>, vector<16xi32>
        %parallel_loop3A_766 = arith.select %parallel_loop3A_763, %parallel_loop3A_761, %parallel_loop3A_739 : vector<16xi1>, vector<16xf32>
        %parallel_loop3A_767 = arith.select %parallel_loop3A_763, %parallel_loop3A_762, %parallel_loop3A_740 : vector<16xi1>, vector<16xi32>
        %parallel_loop3A_768 = arith.constant dense<true> : vector<16xi1>
        %parallel_loop3A_769, %parallel_loop3A_770, %parallel_loop3A_771 = tpu.sort %parallel_loop3A_764, %parallel_loop3A_765 masked %parallel_loop3A_768 {descending = true} : (vector<16xf32>, vector<16xi32>, vector<16xi1>) -> (vector<16xi1>, vector<16xf32>, vector<16xi32>)
        %parallel_loop3A_772 = arith.constant dense<true> : vector<16xi1>
        %parallel_loop3A_773, %parallel_loop3A_774, %parallel_loop3A_775 = tpu.sort %parallel_loop3A_766, %parallel_loop3A_767 masked %parallel_loop3A_772 {descending = true} : (vector<16xf32>, vector<16xi32>, vector<16xi1>) -> (vector<16xi1>, vector<16xf32>, vector<16xi32>)
        %parallel_loop3A_776 = arith.cmpf olt, %while3A_660, %parallel_loop3A_774 : vector<16xf32>
        %parallel_loop3A_777 = arith.select %parallel_loop3A_776, %while3A_660, %parallel_loop3A_774 : vector<16xi1>, vector<16xf32>
        %parallel_loop3A_778 = arith.select %parallel_loop3A_776, %while3A_661, %parallel_loop3A_775 : vector<16xi1>, vector<16xi32>
        %parallel_loop3A_779 = arith.cmpf olt, %while3A_662, %parallel_loop3A_770 : vector<16xf32>
        %parallel_loop3A_780 = arith.select %parallel_loop3A_779, %while3A_662, %parallel_loop3A_770 : vector<16xi1>, vector<16xf32>
        %parallel_loop3A_781 = arith.select %parallel_loop3A_779, %while3A_663, %parallel_loop3A_771 : vector<16xi1>, vector<16xi32>
        %parallel_loop3A_782 = arith.cmpf olt, %parallel_loop3A_777, %parallel_loop3A_780 : vector<16xf32>
        %parallel_loop3A_783 = arith.select %parallel_loop3A_782, %parallel_loop3A_777, %parallel_loop3A_780 : vector<16xi1>, vector<16xf32>
        %parallel_loop3A_784 = arith.select %parallel_loop3A_782, %parallel_loop3A_778, %parallel_loop3A_781 : vector<16xi1>, vector<16xi32>
        %parallel_loop3A_785 = arith.select %parallel_loop3A_782, %parallel_loop3A_780, %parallel_loop3A_777 : vector<16xi1>, vector<16xf32>
        %parallel_loop3A_786 = arith.select %parallel_loop3A_782, %parallel_loop3A_781, %parallel_loop3A_778 : vector<16xi1>, vector<16xi32>
        %parallel_loop3A_787 = arith.constant dense<true> : vector<16xi1>
        %parallel_loop3A_788, %parallel_loop3A_789, %parallel_loop3A_790 = tpu.sort %parallel_loop3A_783, %parallel_loop3A_784 masked %parallel_loop3A_787 : (vector<16xf32>, vector<16xi32>, vector<16xi1>) -> (vector<16xi1>, vector<16xf32>, vector<16xi32>)
        %parallel_loop3A_791 = arith.constant dense<true> : vector<16xi1>
        %parallel_loop3A_792, %parallel_loop3A_793, %parallel_loop3A_794 = tpu.sort %parallel_loop3A_785, %parallel_loop3A_786 masked %parallel_loop3A_791 : (vector<16xf32>, vector<16xi32>, vector<16xi1>) -> (vector<16xi1>, vector<16xf32>, vector<16xi32>)
        %parallel_loop3A_795 = arith.mulf %parallel_loop3A_72, %parallel_loop3A_691 : vector<16xf32>
        %parallel_loop3A_796 = arith.mulf %parallel_loop3A_76, %parallel_loop3A_693 : vector<16xf32>
        %parallel_loop3A_797 = arith.addf %parallel_loop3A_795, %parallel_loop3A_796 : vector<16xf32>
        %parallel_loop3A_798 = arith.mulf %parallel_loop3A_80, %parallel_loop3A_695 : vector<16xf32>
        %parallel_loop3A_799 = arith.addf %parallel_loop3A_797, %parallel_loop3A_798 : vector<16xf32>
        %parallel_loop3A_800 = arith.addf %parallel_loop3A_81, %parallel_loop3A_701 : vector<16xf32>
        %parallel_loop3A_801 = arith.addf %parallel_loop3A_800, %parallel_loop3A_799 : vector<16xf32>
        %parallel_loop3A_802 = arith.constant 0.000000e+00 : f32
        %parallel_loop3A_803 = vector.broadcast %parallel_loop3A_802 : f32 to vector<16xf32>
        %parallel_loop3A_804 = arith.maximumf %parallel_loop3A_801, %parallel_loop3A_803 : vector<16xf32>
        %parallel_loop3A_805 = arith.cmpi eq, %parallel_loop3A_699, %parallel_loop3A_85 : vector<16xi32>
        %parallel_loop3A_806 = arith.cmpi ne, %parallel_loop3A_715, %parallel_loop3A_68 : vector<16xi32>
        %parallel_loop3A_807 = arith.andi %parallel_loop3A_805, %parallel_loop3A_806 : vector<16xi1>
        %parallel_loop3A_808 = arith.constant true
        %parallel_loop3A_809 = vector.broadcast %parallel_loop3A_808 : i1 to vector<16xi1>
        %parallel_loop3A_810 = arith.andi %parallel_loop3A_807, %parallel_loop3A_809 : vector<16xi1>
        %parallel_loop3A_811 = arith.constant 0x7F800000 : f32
        %parallel_loop3A_812 = vector.broadcast %parallel_loop3A_811 : f32 to vector<16xf32>
        %parallel_loop3A_813 = arith.select %parallel_loop3A_810, %parallel_loop3A_804, %parallel_loop3A_812 : vector<16xi1>, vector<16xf32>
        %parallel_loop3A_814 = arith.constant dense<true> : vector<16xi1>
        %parallel_loop3A_815, %parallel_loop3A_816, %parallel_loop3A_817 = tpu.sort %parallel_loop3A_813, %parallel_loop3A_715 masked %parallel_loop3A_814 : (vector<16xf32>, vector<16xi32>, vector<16xi1>) -> (vector<16xi1>, vector<16xf32>, vector<16xi32>)
        %parallel_loop3A_818 = arith.mulf %parallel_loop3A_72, %parallel_loop3A_703 : vector<16xf32>
        %parallel_loop3A_819 = arith.mulf %parallel_loop3A_76, %parallel_loop3A_705 : vector<16xf32>
        %parallel_loop3A_820 = arith.addf %parallel_loop3A_818, %parallel_loop3A_819 : vector<16xf32>
        %parallel_loop3A_821 = arith.mulf %parallel_loop3A_80, %parallel_loop3A_707 : vector<16xf32>
        %parallel_loop3A_822 = arith.addf %parallel_loop3A_820, %parallel_loop3A_821 : vector<16xf32>
        %parallel_loop3A_823 = arith.addf %parallel_loop3A_81, %parallel_loop3A_713 : vector<16xf32>
        %parallel_loop3A_824 = arith.addf %parallel_loop3A_823, %parallel_loop3A_822 : vector<16xf32>
        %parallel_loop3A_825 = arith.constant 0.000000e+00 : f32
        %parallel_loop3A_826 = vector.broadcast %parallel_loop3A_825 : f32 to vector<16xf32>
        %parallel_loop3A_827 = arith.maximumf %parallel_loop3A_824, %parallel_loop3A_826 : vector<16xf32>
        %parallel_loop3A_828 = arith.cmpi eq, %parallel_loop3A_711, %parallel_loop3A_85 : vector<16xi32>
        %parallel_loop3A_829 = arith.cmpi ne, %parallel_loop3A_717, %parallel_loop3A_68 : vector<16xi32>
        %parallel_loop3A_830 = arith.andi %parallel_loop3A_828, %parallel_loop3A_829 : vector<16xi1>
        %parallel_loop3A_831 = vector.broadcast %parallel_loop3A_685 : i1 to vector<16xi1>
        %parallel_loop3A_832 = arith.andi %parallel_loop3A_830, %parallel_loop3A_831 : vector<16xi1>
        %parallel_loop3A_833 = arith.constant 0x7F800000 : f32
        %parallel_loop3A_834 = vector.broadcast %parallel_loop3A_833 : f32 to vector<16xf32>
        %parallel_loop3A_835 = arith.select %parallel_loop3A_832, %parallel_loop3A_827, %parallel_loop3A_834 : vector<16xi1>, vector<16xf32>
        %parallel_loop3A_836 = arith.constant dense<true> : vector<16xi1>
        %parallel_loop3A_837, %parallel_loop3A_838, %parallel_loop3A_839 = tpu.sort %parallel_loop3A_835, %parallel_loop3A_717 masked %parallel_loop3A_836 {descending = true} : (vector<16xf32>, vector<16xi32>, vector<16xi1>) -> (vector<16xi1>, vector<16xf32>, vector<16xi32>)
        %parallel_loop3A_840 = arith.cmpf olt, %parallel_loop3A_816, %parallel_loop3A_838 : vector<16xf32>
        %parallel_loop3A_841 = arith.select %parallel_loop3A_840, %parallel_loop3A_816, %parallel_loop3A_838 : vector<16xi1>, vector<16xf32>
        %parallel_loop3A_842 = arith.select %parallel_loop3A_840, %parallel_loop3A_817, %parallel_loop3A_839 : vector<16xi1>, vector<16xi32>
        %parallel_loop3A_843 = arith.select %parallel_loop3A_840, %parallel_loop3A_838, %parallel_loop3A_816 : vector<16xi1>, vector<16xf32>
        %parallel_loop3A_844 = arith.select %parallel_loop3A_840, %parallel_loop3A_839, %parallel_loop3A_817 : vector<16xi1>, vector<16xi32>
        %parallel_loop3A_845 = arith.constant dense<true> : vector<16xi1>
        %parallel_loop3A_846, %parallel_loop3A_847, %parallel_loop3A_848 = tpu.sort %parallel_loop3A_841, %parallel_loop3A_842 masked %parallel_loop3A_845 {descending = true} : (vector<16xf32>, vector<16xi32>, vector<16xi1>) -> (vector<16xi1>, vector<16xf32>, vector<16xi32>)
        %parallel_loop3A_849 = arith.constant dense<true> : vector<16xi1>
        %parallel_loop3A_850, %parallel_loop3A_851, %parallel_loop3A_852 = tpu.sort %parallel_loop3A_843, %parallel_loop3A_844 masked %parallel_loop3A_849 {descending = true} : (vector<16xf32>, vector<16xi32>, vector<16xi1>) -> (vector<16xi1>, vector<16xf32>, vector<16xi32>)
        %parallel_loop3A_853 = arith.cmpf olt, %while3A_664, %parallel_loop3A_851 : vector<16xf32>
        %parallel_loop3A_854 = arith.select %parallel_loop3A_853, %while3A_664, %parallel_loop3A_851 : vector<16xi1>, vector<16xf32>
        %parallel_loop3A_855 = arith.select %parallel_loop3A_853, %while3A_665, %parallel_loop3A_852 : vector<16xi1>, vector<16xi32>
        %parallel_loop3A_856 = arith.cmpf olt, %while3A_666, %parallel_loop3A_847 : vector<16xf32>
        %parallel_loop3A_857 = arith.select %parallel_loop3A_856, %while3A_666, %parallel_loop3A_847 : vector<16xi1>, vector<16xf32>
        %parallel_loop3A_858 = arith.select %parallel_loop3A_856, %while3A_667, %parallel_loop3A_848 : vector<16xi1>, vector<16xi32>
        %parallel_loop3A_859 = arith.cmpf olt, %parallel_loop3A_854, %parallel_loop3A_857 : vector<16xf32>
        %parallel_loop3A_860 = arith.select %parallel_loop3A_859, %parallel_loop3A_854, %parallel_loop3A_857 : vector<16xi1>, vector<16xf32>
        %parallel_loop3A_861 = arith.select %parallel_loop3A_859, %parallel_loop3A_855, %parallel_loop3A_858 : vector<16xi1>, vector<16xi32>
        %parallel_loop3A_862 = arith.select %parallel_loop3A_859, %parallel_loop3A_857, %parallel_loop3A_854 : vector<16xi1>, vector<16xf32>
        %parallel_loop3A_863 = arith.select %parallel_loop3A_859, %parallel_loop3A_858, %parallel_loop3A_855 : vector<16xi1>, vector<16xi32>
        %parallel_loop3A_864 = arith.constant dense<true> : vector<16xi1>
        %parallel_loop3A_865, %parallel_loop3A_866, %parallel_loop3A_867 = tpu.sort %parallel_loop3A_860, %parallel_loop3A_861 masked %parallel_loop3A_864 : (vector<16xf32>, vector<16xi32>, vector<16xi1>) -> (vector<16xi1>, vector<16xf32>, vector<16xi32>)
        %parallel_loop3A_868 = arith.constant dense<true> : vector<16xi1>
        %parallel_loop3A_869, %parallel_loop3A_870, %parallel_loop3A_871 = tpu.sort %parallel_loop3A_862, %parallel_loop3A_863 masked %parallel_loop3A_868 : (vector<16xf32>, vector<16xi32>, vector<16xi1>) -> (vector<16xi1>, vector<16xf32>, vector<16xi32>)
        %parallel_loop3A_872 = arith.mulf %parallel_loop3A_90, %parallel_loop3A_691 : vector<16xf32>
        %parallel_loop3A_873 = arith.mulf %parallel_loop3A_94, %parallel_loop3A_693 : vector<16xf32>
        %parallel_loop3A_874 = arith.addf %parallel_loop3A_872, %parallel_loop3A_873 : vector<16xf32>
        %parallel_loop3A_875 = arith.mulf %parallel_loop3A_98, %parallel_loop3A_695 : vector<16xf32>
        %parallel_loop3A_876 = arith.addf %parallel_loop3A_874, %parallel_loop3A_875 : vector<16xf32>
        %parallel_loop3A_877 = arith.addf %parallel_loop3A_99, %parallel_loop3A_701 : vector<16xf32>
        %parallel_loop3A_878 = arith.addf %parallel_loop3A_877, %parallel_loop3A_876 : vector<16xf32>
        %parallel_loop3A_879 = arith.constant 0.000000e+00 : f32
        %parallel_loop3A_880 = vector.broadcast %parallel_loop3A_879 : f32 to vector<16xf32>
        %parallel_loop3A_881 = arith.maximumf %parallel_loop3A_878, %parallel_loop3A_880 : vector<16xf32>
        %parallel_loop3A_882 = arith.cmpi eq, %parallel_loop3A_699, %parallel_loop3A_103 : vector<16xi32>
        %parallel_loop3A_883 = arith.cmpi ne, %parallel_loop3A_715, %parallel_loop3A_86 : vector<16xi32>
        %parallel_loop3A_884 = arith.andi %parallel_loop3A_882, %parallel_loop3A_883 : vector<16xi1>
        %parallel_loop3A_885 = arith.constant true
        %parallel_loop3A_886 = vector.broadcast %parallel_loop3A_885 : i1 to vector<16xi1>
        %parallel_loop3A_887 = arith.andi %parallel_loop3A_884, %parallel_loop3A_886 : vector<16xi1>
        %parallel_loop3A_888 = arith.constant 0x7F800000 : f32
        %parallel_loop3A_889 = vector.broadcast %parallel_loop3A_888 : f32 to vector<16xf32>
        %parallel_loop3A_890 = arith.select %parallel_loop3A_887, %parallel_loop3A_881, %parallel_loop3A_889 : vector<16xi1>, vector<16xf32>
        %parallel_loop3A_891 = arith.constant dense<true> : vector<16xi1>
        %parallel_loop3A_892, %parallel_loop3A_893, %parallel_loop3A_894 = tpu.sort %parallel_loop3A_890, %parallel_loop3A_715 masked %parallel_loop3A_891 : (vector<16xf32>, vector<16xi32>, vector<16xi1>) -> (vector<16xi1>, vector<16xf32>, vector<16xi32>)
        %parallel_loop3A_895 = arith.mulf %parallel_loop3A_90, %parallel_loop3A_703 : vector<16xf32>
        %parallel_loop3A_896 = arith.mulf %parallel_loop3A_94, %parallel_loop3A_705 : vector<16xf32>
        %parallel_loop3A_897 = arith.addf %parallel_loop3A_895, %parallel_loop3A_896 : vector<16xf32>
        %parallel_loop3A_898 = arith.mulf %parallel_loop3A_98, %parallel_loop3A_707 : vector<16xf32>
        %parallel_loop3A_899 = arith.addf %parallel_loop3A_897, %parallel_loop3A_898 : vector<16xf32>
        %parallel_loop3A_900 = arith.addf %parallel_loop3A_99, %parallel_loop3A_713 : vector<16xf32>
        %parallel_loop3A_901 = arith.addf %parallel_loop3A_900, %parallel_loop3A_899 : vector<16xf32>
        %parallel_loop3A_902 = arith.constant 0.000000e+00 : f32
        %parallel_loop3A_903 = vector.broadcast %parallel_loop3A_902 : f32 to vector<16xf32>
        %parallel_loop3A_904 = arith.maximumf %parallel_loop3A_901, %parallel_loop3A_903 : vector<16xf32>
        %parallel_loop3A_905 = arith.cmpi eq, %parallel_loop3A_711, %parallel_loop3A_103 : vector<16xi32>
        %parallel_loop3A_906 = arith.cmpi ne, %parallel_loop3A_717, %parallel_loop3A_86 : vector<16xi32>
        %parallel_loop3A_907 = arith.andi %parallel_loop3A_905, %parallel_loop3A_906 : vector<16xi1>
        %parallel_loop3A_908 = vector.broadcast %parallel_loop3A_685 : i1 to vector<16xi1>
        %parallel_loop3A_909 = arith.andi %parallel_loop3A_907, %parallel_loop3A_908 : vector<16xi1>
        %parallel_loop3A_910 = arith.constant 0x7F800000 : f32
        %parallel_loop3A_911 = vector.broadcast %parallel_loop3A_910 : f32 to vector<16xf32>
        %parallel_loop3A_912 = arith.select %parallel_loop3A_909, %parallel_loop3A_904, %parallel_loop3A_911 : vector<16xi1>, vector<16xf32>
        %parallel_loop3A_913 = arith.constant dense<true> : vector<16xi1>
        %parallel_loop3A_914, %parallel_loop3A_915, %parallel_loop3A_916 = tpu.sort %parallel_loop3A_912, %parallel_loop3A_717 masked %parallel_loop3A_913 {descending = true} : (vector<16xf32>, vector<16xi32>, vector<16xi1>) -> (vector<16xi1>, vector<16xf32>, vector<16xi32>)
        %parallel_loop3A_917 = arith.cmpf olt, %parallel_loop3A_893, %parallel_loop3A_915 : vector<16xf32>
        %parallel_loop3A_918 = arith.select %parallel_loop3A_917, %parallel_loop3A_893, %parallel_loop3A_915 : vector<16xi1>, vector<16xf32>
        %parallel_loop3A_919 = arith.select %parallel_loop3A_917, %parallel_loop3A_894, %parallel_loop3A_916 : vector<16xi1>, vector<16xi32>
        %parallel_loop3A_920 = arith.select %parallel_loop3A_917, %parallel_loop3A_915, %parallel_loop3A_893 : vector<16xi1>, vector<16xf32>
        %parallel_loop3A_921 = arith.select %parallel_loop3A_917, %parallel_loop3A_916, %parallel_loop3A_894 : vector<16xi1>, vector<16xi32>
        %parallel_loop3A_922 = arith.constant dense<true> : vector<16xi1>
        %parallel_loop3A_923, %parallel_loop3A_924, %parallel_loop3A_925 = tpu.sort %parallel_loop3A_918, %parallel_loop3A_919 masked %parallel_loop3A_922 {descending = true} : (vector<16xf32>, vector<16xi32>, vector<16xi1>) -> (vector<16xi1>, vector<16xf32>, vector<16xi32>)
        %parallel_loop3A_926 = arith.constant dense<true> : vector<16xi1>
        %parallel_loop3A_927, %parallel_loop3A_928, %parallel_loop3A_929 = tpu.sort %parallel_loop3A_920, %parallel_loop3A_921 masked %parallel_loop3A_926 {descending = true} : (vector<16xf32>, vector<16xi32>, vector<16xi1>) -> (vector<16xi1>, vector<16xf32>, vector<16xi32>)
        %parallel_loop3A_930 = arith.cmpf olt, %while3A_668, %parallel_loop3A_928 : vector<16xf32>
        %parallel_loop3A_931 = arith.select %parallel_loop3A_930, %while3A_668, %parallel_loop3A_928 : vector<16xi1>, vector<16xf32>
        %parallel_loop3A_932 = arith.select %parallel_loop3A_930, %while3A_669, %parallel_loop3A_929 : vector<16xi1>, vector<16xi32>
        %parallel_loop3A_933 = arith.cmpf olt, %while3A_670, %parallel_loop3A_924 : vector<16xf32>
        %parallel_loop3A_934 = arith.select %parallel_loop3A_933, %while3A_670, %parallel_loop3A_924 : vector<16xi1>, vector<16xf32>
        %parallel_loop3A_935 = arith.select %parallel_loop3A_933, %while3A_671, %parallel_loop3A_925 : vector<16xi1>, vector<16xi32>
        %parallel_loop3A_936 = arith.cmpf olt, %parallel_loop3A_931, %parallel_loop3A_934 : vector<16xf32>
        %parallel_loop3A_937 = arith.select %parallel_loop3A_936, %parallel_loop3A_931, %parallel_loop3A_934 : vector<16xi1>, vector<16xf32>
        %parallel_loop3A_938 = arith.select %parallel_loop3A_936, %parallel_loop3A_932, %parallel_loop3A_935 : vector<16xi1>, vector<16xi32>
        %parallel_loop3A_939 = arith.select %parallel_loop3A_936, %parallel_loop3A_934, %parallel_loop3A_931 : vector<16xi1>, vector<16xf32>
        %parallel_loop3A_940 = arith.select %parallel_loop3A_936, %parallel_loop3A_935, %parallel_loop3A_932 : vector<16xi1>, vector<16xi32>
        %parallel_loop3A_941 = arith.constant dense<true> : vector<16xi1>
        %parallel_loop3A_942, %parallel_loop3A_943, %parallel_loop3A_944 = tpu.sort %parallel_loop3A_937, %parallel_loop3A_938 masked %parallel_loop3A_941 : (vector<16xf32>, vector<16xi32>, vector<16xi1>) -> (vector<16xi1>, vector<16xf32>, vector<16xi32>)
        %parallel_loop3A_945 = arith.constant dense<true> : vector<16xi1>
        %parallel_loop3A_946, %parallel_loop3A_947, %parallel_loop3A_948 = tpu.sort %parallel_loop3A_939, %parallel_loop3A_940 masked %parallel_loop3A_945 : (vector<16xf32>, vector<16xi32>, vector<16xi1>) -> (vector<16xi1>, vector<16xf32>, vector<16xi32>)
        %parallel_loop3A_949 = arith.mulf %parallel_loop3A_108, %parallel_loop3A_691 : vector<16xf32>
        %parallel_loop3A_950 = arith.mulf %parallel_loop3A_112, %parallel_loop3A_693 : vector<16xf32>
        %parallel_loop3A_951 = arith.addf %parallel_loop3A_949, %parallel_loop3A_950 : vector<16xf32>
        %parallel_loop3A_952 = arith.mulf %parallel_loop3A_116, %parallel_loop3A_695 : vector<16xf32>
        %parallel_loop3A_953 = arith.addf %parallel_loop3A_951, %parallel_loop3A_952 : vector<16xf32>
        %parallel_loop3A_954 = arith.addf %parallel_loop3A_117, %parallel_loop3A_701 : vector<16xf32>
        %parallel_loop3A_955 = arith.addf %parallel_loop3A_954, %parallel_loop3A_953 : vector<16xf32>
        %parallel_loop3A_956 = arith.constant 0.000000e+00 : f32
        %parallel_loop3A_957 = vector.broadcast %parallel_loop3A_956 : f32 to vector<16xf32>
        %parallel_loop3A_958 = arith.maximumf %parallel_loop3A_955, %parallel_loop3A_957 : vector<16xf32>
        %parallel_loop3A_959 = arith.cmpi eq, %parallel_loop3A_699, %parallel_loop3A_121 : vector<16xi32>
        %parallel_loop3A_960 = arith.cmpi ne, %parallel_loop3A_715, %parallel_loop3A_104 : vector<16xi32>
        %parallel_loop3A_961 = arith.andi %parallel_loop3A_959, %parallel_loop3A_960 : vector<16xi1>
        %parallel_loop3A_962 = arith.constant true
        %parallel_loop3A_963 = vector.broadcast %parallel_loop3A_962 : i1 to vector<16xi1>
        %parallel_loop3A_964 = arith.andi %parallel_loop3A_961, %parallel_loop3A_963 : vector<16xi1>
        %parallel_loop3A_965 = arith.constant 0x7F800000 : f32
        %parallel_loop3A_966 = vector.broadcast %parallel_loop3A_965 : f32 to vector<16xf32>
        %parallel_loop3A_967 = arith.select %parallel_loop3A_964, %parallel_loop3A_958, %parallel_loop3A_966 : vector<16xi1>, vector<16xf32>
        %parallel_loop3A_968 = arith.constant dense<true> : vector<16xi1>
        %parallel_loop3A_969, %parallel_loop3A_970, %parallel_loop3A_971 = tpu.sort %parallel_loop3A_967, %parallel_loop3A_715 masked %parallel_loop3A_968 : (vector<16xf32>, vector<16xi32>, vector<16xi1>) -> (vector<16xi1>, vector<16xf32>, vector<16xi32>)
        %parallel_loop3A_972 = arith.mulf %parallel_loop3A_108, %parallel_loop3A_703 : vector<16xf32>
        %parallel_loop3A_973 = arith.mulf %parallel_loop3A_112, %parallel_loop3A_705 : vector<16xf32>
        %parallel_loop3A_974 = arith.addf %parallel_loop3A_972, %parallel_loop3A_973 : vector<16xf32>
        %parallel_loop3A_975 = arith.mulf %parallel_loop3A_116, %parallel_loop3A_707 : vector<16xf32>
        %parallel_loop3A_976 = arith.addf %parallel_loop3A_974, %parallel_loop3A_975 : vector<16xf32>
        %parallel_loop3A_977 = arith.addf %parallel_loop3A_117, %parallel_loop3A_713 : vector<16xf32>
        %parallel_loop3A_978 = arith.addf %parallel_loop3A_977, %parallel_loop3A_976 : vector<16xf32>
        %parallel_loop3A_979 = arith.constant 0.000000e+00 : f32
        %parallel_loop3A_980 = vector.broadcast %parallel_loop3A_979 : f32 to vector<16xf32>
        %parallel_loop3A_981 = arith.maximumf %parallel_loop3A_978, %parallel_loop3A_980 : vector<16xf32>
        %parallel_loop3A_982 = arith.cmpi eq, %parallel_loop3A_711, %parallel_loop3A_121 : vector<16xi32>
        %parallel_loop3A_983 = arith.cmpi ne, %parallel_loop3A_717, %parallel_loop3A_104 : vector<16xi32>
        %parallel_loop3A_984 = arith.andi %parallel_loop3A_982, %parallel_loop3A_983 : vector<16xi1>
        %parallel_loop3A_985 = vector.broadcast %parallel_loop3A_685 : i1 to vector<16xi1>
        %parallel_loop3A_986 = arith.andi %parallel_loop3A_984, %parallel_loop3A_985 : vector<16xi1>
        %parallel_loop3A_987 = arith.constant 0x7F800000 : f32
        %parallel_loop3A_988 = vector.broadcast %parallel_loop3A_987 : f32 to vector<16xf32>
        %parallel_loop3A_989 = arith.select %parallel_loop3A_986, %parallel_loop3A_981, %parallel_loop3A_988 : vector<16xi1>, vector<16xf32>
        %parallel_loop3A_990 = arith.constant dense<true> : vector<16xi1>
        %parallel_loop3A_991, %parallel_loop3A_992, %parallel_loop3A_993 = tpu.sort %parallel_loop3A_989, %parallel_loop3A_717 masked %parallel_loop3A_990 {descending = true} : (vector<16xf32>, vector<16xi32>, vector<16xi1>) -> (vector<16xi1>, vector<16xf32>, vector<16xi32>)
        %parallel_loop3A_994 = arith.cmpf olt, %parallel_loop3A_970, %parallel_loop3A_992 : vector<16xf32>
        %parallel_loop3A_995 = arith.select %parallel_loop3A_994, %parallel_loop3A_970, %parallel_loop3A_992 : vector<16xi1>, vector<16xf32>
        %parallel_loop3A_996 = arith.select %parallel_loop3A_994, %parallel_loop3A_971, %parallel_loop3A_993 : vector<16xi1>, vector<16xi32>
        %parallel_loop3A_997 = arith.select %parallel_loop3A_994, %parallel_loop3A_992, %parallel_loop3A_970 : vector<16xi1>, vector<16xf32>
        %parallel_loop3A_998 = arith.select %parallel_loop3A_994, %parallel_loop3A_993, %parallel_loop3A_971 : vector<16xi1>, vector<16xi32>
        %parallel_loop3A_999 = arith.constant dense<true> : vector<16xi1>
        %parallel_loop3A_1000, %parallel_loop3A_1001, %parallel_loop3A_1002 = tpu.sort %parallel_loop3A_995, %parallel_loop3A_996 masked %parallel_loop3A_999 {descending = true} : (vector<16xf32>, vector<16xi32>, vector<16xi1>) -> (vector<16xi1>, vector<16xf32>, vector<16xi32>)
        %parallel_loop3A_1003 = arith.constant dense<true> : vector<16xi1>
        %parallel_loop3A_1004, %parallel_loop3A_1005, %parallel_loop3A_1006 = tpu.sort %parallel_loop3A_997, %parallel_loop3A_998 masked %parallel_loop3A_1003 {descending = true} : (vector<16xf32>, vector<16xi32>, vector<16xi1>) -> (vector<16xi1>, vector<16xf32>, vector<16xi32>)
        %parallel_loop3A_1007 = arith.cmpf olt, %while3A_672, %parallel_loop3A_1005 : vector<16xf32>
        %parallel_loop3A_1008 = arith.select %parallel_loop3A_1007, %while3A_672, %parallel_loop3A_1005 : vector<16xi1>, vector<16xf32>
        %parallel_loop3A_1009 = arith.select %parallel_loop3A_1007, %while3A_673, %parallel_loop3A_1006 : vector<16xi1>, vector<16xi32>
        %parallel_loop3A_1010 = arith.cmpf olt, %while3A_674, %parallel_loop3A_1001 : vector<16xf32>
        %parallel_loop3A_1011 = arith.select %parallel_loop3A_1010, %while3A_674, %parallel_loop3A_1001 : vector<16xi1>, vector<16xf32>
        %parallel_loop3A_1012 = arith.select %parallel_loop3A_1010, %while3A_675, %parallel_loop3A_1002 : vector<16xi1>, vector<16xi32>
        %parallel_loop3A_1013 = arith.cmpf olt, %parallel_loop3A_1008, %parallel_loop3A_1011 : vector<16xf32>
        %parallel_loop3A_1014 = arith.select %parallel_loop3A_1013, %parallel_loop3A_1008, %parallel_loop3A_1011 : vector<16xi1>, vector<16xf32>
        %parallel_loop3A_1015 = arith.select %parallel_loop3A_1013, %parallel_loop3A_1009, %parallel_loop3A_1012 : vector<16xi1>, vector<16xi32>
        %parallel_loop3A_1016 = arith.select %parallel_loop3A_1013, %parallel_loop3A_1011, %parallel_loop3A_1008 : vector<16xi1>, vector<16xf32>
        %parallel_loop3A_1017 = arith.select %parallel_loop3A_1013, %parallel_loop3A_1012, %parallel_loop3A_1009 : vector<16xi1>, vector<16xi32>
        %parallel_loop3A_1018 = arith.constant dense<true> : vector<16xi1>
        %parallel_loop3A_1019, %parallel_loop3A_1020, %parallel_loop3A_1021 = tpu.sort %parallel_loop3A_1014, %parallel_loop3A_1015 masked %parallel_loop3A_1018 : (vector<16xf32>, vector<16xi32>, vector<16xi1>) -> (vector<16xi1>, vector<16xf32>, vector<16xi32>)
        %parallel_loop3A_1022 = arith.constant dense<true> : vector<16xi1>
        %parallel_loop3A_1023, %parallel_loop3A_1024, %parallel_loop3A_1025 = tpu.sort %parallel_loop3A_1016, %parallel_loop3A_1017 masked %parallel_loop3A_1022 : (vector<16xf32>, vector<16xi32>, vector<16xi1>) -> (vector<16xi1>, vector<16xf32>, vector<16xi32>)
        scf.yield %parallel_loop3A_789, %parallel_loop3A_790, %parallel_loop3A_793, %parallel_loop3A_794, %parallel_loop3A_866, %parallel_loop3A_867, %parallel_loop3A_870, %parallel_loop3A_871, %parallel_loop3A_943, %parallel_loop3A_944, %parallel_loop3A_947, %parallel_loop3A_948, %parallel_loop3A_1020, %parallel_loop3A_1021, %parallel_loop3A_1024, %parallel_loop3A_1025 : vector<16xf32>, vector<16xi32>, vector<16xf32>, vector<16xi32>, vector<16xf32>, vector<16xi32>, vector<16xf32>, vector<16xi32>, vector<16xf32>, vector<16xi32>, vector<16xf32>, vector<16xi32>, vector<16xf32>, vector<16xi32>, vector<16xf32>, vector<16xi32>
      }
      %parallel_loop3A_228 = arith.constant 4 : i32
      %parallel_loop3A_229 = arith.muli %parallel_loop3A_228, %parallel_loop3A_29 : i32
      %parallel_loop3A_230 = arith.constant 0 : i32
      %parallel_loop3A_231 = arith.addi %parallel_loop3A_229, %parallel_loop3A_230 : i32
      %parallel_loop3A_232 = arith.constant 32 : i32
      %parallel_loop3A_233 = arith.muli %parallel_loop3A_231, %parallel_loop3A_232 : i32
      %parallel_loop3A_234 = arith.constant 2.500000e+01 : f32
      %parallel_loop3A_235 = vector.broadcast %parallel_loop3A_234 : f32 to vector<16xf32>
      %parallel_loop3A_236 = arith.cmpf ole, %parallel_loop3A_227#0, %parallel_loop3A_235 : vector<16xf32>
      %parallel_loop3A_237 = arith.constant 0.000000e+00 : f32
      %parallel_loop3A_238 = vector.broadcast %parallel_loop3A_237 : f32 to vector<16xf32>
      %parallel_loop3A_239 = arith.cmpf ogt, %parallel_loop3A_227#0, %parallel_loop3A_238 : vector<16xf32>
      %parallel_loop3A_240 = arith.andi %parallel_loop3A_236, %parallel_loop3A_239 : vector<16xi1>
      %parallel_loop3A_241 = arith.constant 1.000000e+00 : f32
      %parallel_loop3A_242 = vector.broadcast %parallel_loop3A_241 : f32 to vector<16xf32>
      %parallel_loop3A_243 = arith.select %parallel_loop3A_240, %parallel_loop3A_227#0, %parallel_loop3A_242 : vector<16xi1>, vector<16xf32>
      %parallel_loop3A_244 = vector.bitcast %parallel_loop3A_243 : vector<16xf32> to vector<16xi32>
      %parallel_loop3A_245 = arith.constant 1 : i32
      %parallel_loop3A_246 = vector.broadcast %parallel_loop3A_245 : i32 to vector<16xi32>
      %parallel_loop3A_247 = arith.shrsi %parallel_loop3A_244, %parallel_loop3A_246 : vector<16xi32>
      %parallel_loop3A_248 = arith.constant 1597463007 : i32
      %parallel_loop3A_249 = vector.broadcast %parallel_loop3A_248 : i32 to vector<16xi32>
      %parallel_loop3A_250 = arith.subi %parallel_loop3A_249, %parallel_loop3A_247 : vector<16xi32>
      %parallel_loop3A_251 = vector.bitcast %parallel_loop3A_250 : vector<16xi32> to vector<16xf32>
      %parallel_loop3A_252 = arith.constant 5.000000e-01 : f32
      %parallel_loop3A_253 = vector.broadcast %parallel_loop3A_252 : f32 to vector<16xf32>
      %parallel_loop3A_254 = arith.mulf %parallel_loop3A_253, %parallel_loop3A_243 : vector<16xf32>
      %parallel_loop3A_255 = arith.mulf %parallel_loop3A_254, %parallel_loop3A_251 : vector<16xf32>
      %parallel_loop3A_256 = arith.mulf %parallel_loop3A_255, %parallel_loop3A_251 : vector<16xf32>
      %parallel_loop3A_257 = arith.constant 1.500000e+00 : f32
      %parallel_loop3A_258 = vector.broadcast %parallel_loop3A_257 : f32 to vector<16xf32>
      %parallel_loop3A_259 = arith.subf %parallel_loop3A_258, %parallel_loop3A_256 : vector<16xf32>
      %parallel_loop3A_260 = arith.mulf %parallel_loop3A_251, %parallel_loop3A_259 : vector<16xf32>
      %parallel_loop3A_261 = arith.mulf %parallel_loop3A_254, %parallel_loop3A_260 : vector<16xf32>
      %parallel_loop3A_262 = arith.mulf %parallel_loop3A_261, %parallel_loop3A_260 : vector<16xf32>
      %parallel_loop3A_263 = arith.constant 1.500000e+00 : f32
      %parallel_loop3A_264 = vector.broadcast %parallel_loop3A_263 : f32 to vector<16xf32>
      %parallel_loop3A_265 = arith.subf %parallel_loop3A_264, %parallel_loop3A_262 : vector<16xf32>
      %parallel_loop3A_266 = arith.mulf %parallel_loop3A_260, %parallel_loop3A_265 : vector<16xf32>
      %parallel_loop3A_267 = arith.mulf %parallel_loop3A_243, %parallel_loop3A_266 : vector<16xf32>
      %parallel_loop3A_268 = arith.constant 0.000000e+00 : f32
      %parallel_loop3A_269 = vector.broadcast %parallel_loop3A_268 : f32 to vector<16xf32>
      %parallel_loop3A_270 = arith.select %parallel_loop3A_240, %parallel_loop3A_267, %parallel_loop3A_269 : vector<16xi1>, vector<16xf32>
      %parallel_loop3A_271 = arith.constant 0 : i32
      %parallel_loop3A_272 = arith.addi %parallel_loop3A_233, %parallel_loop3A_271 : i32
      %parallel_loop3A_273 = arith.constant -1 : i32
      %parallel_loop3A_274 = vector.broadcast %parallel_loop3A_273 : i32 to vector<16xi32>
      %parallel_loop3A_275 = arith.select %parallel_loop3A_236, %parallel_loop3A_227#1, %parallel_loop3A_274 : vector<16xi1>, vector<16xi32>
      %parallel_loop3A_276 = arith.index_cast %parallel_loop3A_272 : i32 to index
      %parallel_loop3A_277 = tpu.vector_load %arg15[%parallel_loop3A_276] {strides = array<i32>} : memref<4096xi32, #tpu.memory_space<vmem>>, vector<16xi32>,
      tpu.vector_store %arg15[%parallel_loop3A_276], %parallel_loop3A_275 {strides = array<i32>} : memref<4096xi32, #tpu.memory_space<vmem>>, vector<16xi32>,
      %parallel_loop3A_278 = arith.constant -1 : i32
      %parallel_loop3A_279 = vector.broadcast %parallel_loop3A_278 : i32 to vector<16xi32>
      %parallel_loop3A_280 = arith.select %parallel_loop3A_236, %parallel_loop3A_50, %parallel_loop3A_279 : vector<16xi1>, vector<16xi32>
      %parallel_loop3A_281 = arith.index_cast %parallel_loop3A_272 : i32 to index
      %parallel_loop3A_282 = tpu.vector_load %arg16[%parallel_loop3A_281] {strides = array<i32>} : memref<4096xi32, #tpu.memory_space<vmem>>, vector<16xi32>,
      tpu.vector_store %arg16[%parallel_loop3A_281], %parallel_loop3A_280 {strides = array<i32>} : memref<4096xi32, #tpu.memory_space<vmem>>, vector<16xi32>,
      %parallel_loop3A_283 = arith.index_cast %parallel_loop3A_272 : i32 to index
      %parallel_loop3A_284 = tpu.vector_load %arg17[%parallel_loop3A_283] {strides = array<i32>} : memref<4096xf32, #tpu.memory_space<vmem>>, vector<16xf32>,
      tpu.vector_store %arg17[%parallel_loop3A_283], %parallel_loop3A_270 {strides = array<i32>} : memref<4096xf32, #tpu.memory_space<vmem>>, vector<16xf32>,
      %parallel_loop3A_285 = arith.constant 2.500000e+01 : f32
      %parallel_loop3A_286 = vector.broadcast %parallel_loop3A_285 : f32 to vector<16xf32>
      %parallel_loop3A_287 = arith.cmpf ole, %parallel_loop3A_227#2, %parallel_loop3A_286 : vector<16xf32>
      %parallel_loop3A_288 = arith.constant 0.000000e+00 : f32
      %parallel_loop3A_289 = vector.broadcast %parallel_loop3A_288 : f32 to vector<16xf32>
      %parallel_loop3A_290 = arith.cmpf ogt, %parallel_loop3A_227#2, %parallel_loop3A_289 : vector<16xf32>
      %parallel_loop3A_291 = arith.andi %parallel_loop3A_287, %parallel_loop3A_290 : vector<16xi1>
      %parallel_loop3A_292 = arith.constant 1.000000e+00 : f32
      %parallel_loop3A_293 = vector.broadcast %parallel_loop3A_292 : f32 to vector<16xf32>
      %parallel_loop3A_294 = arith.select %parallel_loop3A_291, %parallel_loop3A_227#2, %parallel_loop3A_293 : vector<16xi1>, vector<16xf32>
      %parallel_loop3A_295 = vector.bitcast %parallel_loop3A_294 : vector<16xf32> to vector<16xi32>
      %parallel_loop3A_296 = arith.constant 1 : i32
      %parallel_loop3A_297 = vector.broadcast %parallel_loop3A_296 : i32 to vector<16xi32>
      %parallel_loop3A_298 = arith.shrsi %parallel_loop3A_295, %parallel_loop3A_297 : vector<16xi32>
      %parallel_loop3A_299 = arith.constant 1597463007 : i32
      %parallel_loop3A_300 = vector.broadcast %parallel_loop3A_299 : i32 to vector<16xi32>
      %parallel_loop3A_301 = arith.subi %parallel_loop3A_300, %parallel_loop3A_298 : vector<16xi32>
      %parallel_loop3A_302 = vector.bitcast %parallel_loop3A_301 : vector<16xi32> to vector<16xf32>
      %parallel_loop3A_303 = arith.constant 5.000000e-01 : f32
      %parallel_loop3A_304 = vector.broadcast %parallel_loop3A_303 : f32 to vector<16xf32>
      %parallel_loop3A_305 = arith.mulf %parallel_loop3A_304, %parallel_loop3A_294 : vector<16xf32>
      %parallel_loop3A_306 = arith.mulf %parallel_loop3A_305, %parallel_loop3A_302 : vector<16xf32>
      %parallel_loop3A_307 = arith.mulf %parallel_loop3A_306, %parallel_loop3A_302 : vector<16xf32>
      %parallel_loop3A_308 = arith.constant 1.500000e+00 : f32
      %parallel_loop3A_309 = vector.broadcast %parallel_loop3A_308 : f32 to vector<16xf32>
      %parallel_loop3A_310 = arith.subf %parallel_loop3A_309, %parallel_loop3A_307 : vector<16xf32>
      %parallel_loop3A_311 = arith.mulf %parallel_loop3A_302, %parallel_loop3A_310 : vector<16xf32>
      %parallel_loop3A_312 = arith.mulf %parallel_loop3A_305, %parallel_loop3A_311 : vector<16xf32>
      %parallel_loop3A_313 = arith.mulf %parallel_loop3A_312, %parallel_loop3A_311 : vector<16xf32>
      %parallel_loop3A_314 = arith.constant 1.500000e+00 : f32
      %parallel_loop3A_315 = vector.broadcast %parallel_loop3A_314 : f32 to vector<16xf32>
      %parallel_loop3A_316 = arith.subf %parallel_loop3A_315, %parallel_loop3A_313 : vector<16xf32>
      %parallel_loop3A_317 = arith.mulf %parallel_loop3A_311, %parallel_loop3A_316 : vector<16xf32>
      %parallel_loop3A_318 = arith.mulf %parallel_loop3A_294, %parallel_loop3A_317 : vector<16xf32>
      %parallel_loop3A_319 = arith.constant 0.000000e+00 : f32
      %parallel_loop3A_320 = vector.broadcast %parallel_loop3A_319 : f32 to vector<16xf32>
      %parallel_loop3A_321 = arith.select %parallel_loop3A_291, %parallel_loop3A_318, %parallel_loop3A_320 : vector<16xi1>, vector<16xf32>
      %parallel_loop3A_322 = arith.constant 16 : i32
      %parallel_loop3A_323 = arith.addi %parallel_loop3A_233, %parallel_loop3A_322 : i32
      %parallel_loop3A_324 = arith.constant -1 : i32
      %parallel_loop3A_325 = vector.broadcast %parallel_loop3A_324 : i32 to vector<16xi32>
      %parallel_loop3A_326 = arith.select %parallel_loop3A_287, %parallel_loop3A_227#3, %parallel_loop3A_325 : vector<16xi1>, vector<16xi32>
      %parallel_loop3A_327 = arith.index_cast %parallel_loop3A_323 : i32 to index
      %parallel_loop3A_328 = tpu.vector_load %arg15[%parallel_loop3A_327] {strides = array<i32>} : memref<4096xi32, #tpu.memory_space<vmem>>, vector<16xi32>,
      tpu.vector_store %arg15[%parallel_loop3A_327], %parallel_loop3A_326 {strides = array<i32>} : memref<4096xi32, #tpu.memory_space<vmem>>, vector<16xi32>,
      %parallel_loop3A_329 = arith.constant -1 : i32
      %parallel_loop3A_330 = vector.broadcast %parallel_loop3A_329 : i32 to vector<16xi32>
      %parallel_loop3A_331 = arith.select %parallel_loop3A_287, %parallel_loop3A_50, %parallel_loop3A_330 : vector<16xi1>, vector<16xi32>
      %parallel_loop3A_332 = arith.index_cast %parallel_loop3A_323 : i32 to index
      %parallel_loop3A_333 = tpu.vector_load %arg16[%parallel_loop3A_332] {strides = array<i32>} : memref<4096xi32, #tpu.memory_space<vmem>>, vector<16xi32>,
      tpu.vector_store %arg16[%parallel_loop3A_332], %parallel_loop3A_331 {strides = array<i32>} : memref<4096xi32, #tpu.memory_space<vmem>>, vector<16xi32>,
      %parallel_loop3A_334 = arith.index_cast %parallel_loop3A_323 : i32 to index
      %parallel_loop3A_335 = tpu.vector_load %arg17[%parallel_loop3A_334] {strides = array<i32>} : memref<4096xf32, #tpu.memory_space<vmem>>, vector<16xf32>,
      tpu.vector_store %arg17[%parallel_loop3A_334], %parallel_loop3A_321 {strides = array<i32>} : memref<4096xf32, #tpu.memory_space<vmem>>, vector<16xf32>,
      %parallel_loop3A_336 = arith.constant 4 : i32
      %parallel_loop3A_337 = arith.muli %parallel_loop3A_336, %parallel_loop3A_29 : i32
      %parallel_loop3A_338 = arith.constant 1 : i32
      %parallel_loop3A_339 = arith.addi %parallel_loop3A_337, %parallel_loop3A_338 : i32
      %parallel_loop3A_340 = arith.constant 32 : i32
      %parallel_loop3A_341 = arith.muli %parallel_loop3A_339, %parallel_loop3A_340 : i32
      %parallel_loop3A_342 = arith.constant 2.500000e+01 : f32
      %parallel_loop3A_343 = vector.broadcast %parallel_loop3A_342 : f32 to vector<16xf32>
      %parallel_loop3A_344 = arith.cmpf ole, %parallel_loop3A_227#4, %parallel_loop3A_343 : vector<16xf32>
      %parallel_loop3A_345 = arith.constant 0.000000e+00 : f32
      %parallel_loop3A_346 = vector.broadcast %parallel_loop3A_345 : f32 to vector<16xf32>
      %parallel_loop3A_347 = arith.cmpf ogt, %parallel_loop3A_227#4, %parallel_loop3A_346 : vector<16xf32>
      %parallel_loop3A_348 = arith.andi %parallel_loop3A_344, %parallel_loop3A_347 : vector<16xi1>
      %parallel_loop3A_349 = arith.constant 1.000000e+00 : f32
      %parallel_loop3A_350 = vector.broadcast %parallel_loop3A_349 : f32 to vector<16xf32>
      %parallel_loop3A_351 = arith.select %parallel_loop3A_348, %parallel_loop3A_227#4, %parallel_loop3A_350 : vector<16xi1>, vector<16xf32>
      %parallel_loop3A_352 = vector.bitcast %parallel_loop3A_351 : vector<16xf32> to vector<16xi32>
      %parallel_loop3A_353 = arith.constant 1 : i32
      %parallel_loop3A_354 = vector.broadcast %parallel_loop3A_353 : i32 to vector<16xi32>
      %parallel_loop3A_355 = arith.shrsi %parallel_loop3A_352, %parallel_loop3A_354 : vector<16xi32>
      %parallel_loop3A_356 = arith.constant 1597463007 : i32
      %parallel_loop3A_357 = vector.broadcast %parallel_loop3A_356 : i32 to vector<16xi32>
      %parallel_loop3A_358 = arith.subi %parallel_loop3A_357, %parallel_loop3A_355 : vector<16xi32>
      %parallel_loop3A_359 = vector.bitcast %parallel_loop3A_358 : vector<16xi32> to vector<16xf32>
      %parallel_loop3A_360 = arith.constant 5.000000e-01 : f32
      %parallel_loop3A_361 = vector.broadcast %parallel_loop3A_360 : f32 to vector<16xf32>
      %parallel_loop3A_362 = arith.mulf %parallel_loop3A_361, %parallel_loop3A_351 : vector<16xf32>
      %parallel_loop3A_363 = arith.mulf %parallel_loop3A_362, %parallel_loop3A_359 : vector<16xf32>
      %parallel_loop3A_364 = arith.mulf %parallel_loop3A_363, %parallel_loop3A_359 : vector<16xf32>
      %parallel_loop3A_365 = arith.constant 1.500000e+00 : f32
      %parallel_loop3A_366 = vector.broadcast %parallel_loop3A_365 : f32 to vector<16xf32>
      %parallel_loop3A_367 = arith.subf %parallel_loop3A_366, %parallel_loop3A_364 : vector<16xf32>
      %parallel_loop3A_368 = arith.mulf %parallel_loop3A_359, %parallel_loop3A_367 : vector<16xf32>
      %parallel_loop3A_369 = arith.mulf %parallel_loop3A_362, %parallel_loop3A_368 : vector<16xf32>
      %parallel_loop3A_370 = arith.mulf %parallel_loop3A_369, %parallel_loop3A_368 : vector<16xf32>
      %parallel_loop3A_371 = arith.constant 1.500000e+00 : f32
      %parallel_loop3A_372 = vector.broadcast %parallel_loop3A_371 : f32 to vector<16xf32>
      %parallel_loop3A_373 = arith.subf %parallel_loop3A_372, %parallel_loop3A_370 : vector<16xf32>
      %parallel_loop3A_374 = arith.mulf %parallel_loop3A_368, %parallel_loop3A_373 : vector<16xf32>
      %parallel_loop3A_375 = arith.mulf %parallel_loop3A_351, %parallel_loop3A_374 : vector<16xf32>
      %parallel_loop3A_376 = arith.constant 0.000000e+00 : f32
      %parallel_loop3A_377 = vector.broadcast %parallel_loop3A_376 : f32 to vector<16xf32>
      %parallel_loop3A_378 = arith.select %parallel_loop3A_348, %parallel_loop3A_375, %parallel_loop3A_377 : vector<16xi1>, vector<16xf32>
      %parallel_loop3A_379 = arith.constant 0 : i32
      %parallel_loop3A_380 = arith.addi %parallel_loop3A_341, %parallel_loop3A_379 : i32
      %parallel_loop3A_381 = arith.constant -1 : i32
      %parallel_loop3A_382 = vector.broadcast %parallel_loop3A_381 : i32 to vector<16xi32>
      %parallel_loop3A_383 = arith.select %parallel_loop3A_344, %parallel_loop3A_227#5, %parallel_loop3A_382 : vector<16xi1>, vector<16xi32>
      %parallel_loop3A_384 = arith.index_cast %parallel_loop3A_380 : i32 to index
      %parallel_loop3A_385 = tpu.vector_load %arg15[%parallel_loop3A_384] {strides = array<i32>} : memref<4096xi32, #tpu.memory_space<vmem>>, vector<16xi32>,
      tpu.vector_store %arg15[%parallel_loop3A_384], %parallel_loop3A_383 {strides = array<i32>} : memref<4096xi32, #tpu.memory_space<vmem>>, vector<16xi32>,
      %parallel_loop3A_386 = arith.constant -1 : i32
      %parallel_loop3A_387 = vector.broadcast %parallel_loop3A_386 : i32 to vector<16xi32>
      %parallel_loop3A_388 = arith.select %parallel_loop3A_344, %parallel_loop3A_68, %parallel_loop3A_387 : vector<16xi1>, vector<16xi32>
      %parallel_loop3A_389 = arith.index_cast %parallel_loop3A_380 : i32 to index
      %parallel_loop3A_390 = tpu.vector_load %arg16[%parallel_loop3A_389] {strides = array<i32>} : memref<4096xi32, #tpu.memory_space<vmem>>, vector<16xi32>,
      tpu.vector_store %arg16[%parallel_loop3A_389], %parallel_loop3A_388 {strides = array<i32>} : memref<4096xi32, #tpu.memory_space<vmem>>, vector<16xi32>,
      %parallel_loop3A_391 = arith.index_cast %parallel_loop3A_380 : i32 to index
      %parallel_loop3A_392 = tpu.vector_load %arg17[%parallel_loop3A_391] {strides = array<i32>} : memref<4096xf32, #tpu.memory_space<vmem>>, vector<16xf32>,
      tpu.vector_store %arg17[%parallel_loop3A_391], %parallel_loop3A_378 {strides = array<i32>} : memref<4096xf32, #tpu.memory_space<vmem>>, vector<16xf32>,
      %parallel_loop3A_393 = arith.constant 2.500000e+01 : f32
      %parallel_loop3A_394 = vector.broadcast %parallel_loop3A_393 : f32 to vector<16xf32>
      %parallel_loop3A_395 = arith.cmpf ole, %parallel_loop3A_227#6, %parallel_loop3A_394 : vector<16xf32>
      %parallel_loop3A_396 = arith.constant 0.000000e+00 : f32
      %parallel_loop3A_397 = vector.broadcast %parallel_loop3A_396 : f32 to vector<16xf32>
      %parallel_loop3A_398 = arith.cmpf ogt, %parallel_loop3A_227#6, %parallel_loop3A_397 : vector<16xf32>
      %parallel_loop3A_399 = arith.andi %parallel_loop3A_395, %parallel_loop3A_398 : vector<16xi1>
      %parallel_loop3A_400 = arith.constant 1.000000e+00 : f32
      %parallel_loop3A_401 = vector.broadcast %parallel_loop3A_400 : f32 to vector<16xf32>
      %parallel_loop3A_402 = arith.select %parallel_loop3A_399, %parallel_loop3A_227#6, %parallel_loop3A_401 : vector<16xi1>, vector<16xf32>
      %parallel_loop3A_403 = vector.bitcast %parallel_loop3A_402 : vector<16xf32> to vector<16xi32>
      %parallel_loop3A_404 = arith.constant 1 : i32
      %parallel_loop3A_405 = vector.broadcast %parallel_loop3A_404 : i32 to vector<16xi32>
      %parallel_loop3A_406 = arith.shrsi %parallel_loop3A_403, %parallel_loop3A_405 : vector<16xi32>
      %parallel_loop3A_407 = arith.constant 1597463007 : i32
      %parallel_loop3A_408 = vector.broadcast %parallel_loop3A_407 : i32 to vector<16xi32>
      %parallel_loop3A_409 = arith.subi %parallel_loop3A_408, %parallel_loop3A_406 : vector<16xi32>
      %parallel_loop3A_410 = vector.bitcast %parallel_loop3A_409 : vector<16xi32> to vector<16xf32>
      %parallel_loop3A_411 = arith.constant 5.000000e-01 : f32
      %parallel_loop3A_412 = vector.broadcast %parallel_loop3A_411 : f32 to vector<16xf32>
      %parallel_loop3A_413 = arith.mulf %parallel_loop3A_412, %parallel_loop3A_402 : vector<16xf32>
      %parallel_loop3A_414 = arith.mulf %parallel_loop3A_413, %parallel_loop3A_410 : vector<16xf32>
      %parallel_loop3A_415 = arith.mulf %parallel_loop3A_414, %parallel_loop3A_410 : vector<16xf32>
      %parallel_loop3A_416 = arith.constant 1.500000e+00 : f32
      %parallel_loop3A_417 = vector.broadcast %parallel_loop3A_416 : f32 to vector<16xf32>
      %parallel_loop3A_418 = arith.subf %parallel_loop3A_417, %parallel_loop3A_415 : vector<16xf32>
      %parallel_loop3A_419 = arith.mulf %parallel_loop3A_410, %parallel_loop3A_418 : vector<16xf32>
      %parallel_loop3A_420 = arith.mulf %parallel_loop3A_413, %parallel_loop3A_419 : vector<16xf32>
      %parallel_loop3A_421 = arith.mulf %parallel_loop3A_420, %parallel_loop3A_419 : vector<16xf32>
      %parallel_loop3A_422 = arith.constant 1.500000e+00 : f32
      %parallel_loop3A_423 = vector.broadcast %parallel_loop3A_422 : f32 to vector<16xf32>
      %parallel_loop3A_424 = arith.subf %parallel_loop3A_423, %parallel_loop3A_421 : vector<16xf32>
      %parallel_loop3A_425 = arith.mulf %parallel_loop3A_419, %parallel_loop3A_424 : vector<16xf32>
      %parallel_loop3A_426 = arith.mulf %parallel_loop3A_402, %parallel_loop3A_425 : vector<16xf32>
      %parallel_loop3A_427 = arith.constant 0.000000e+00 : f32
      %parallel_loop3A_428 = vector.broadcast %parallel_loop3A_427 : f32 to vector<16xf32>
      %parallel_loop3A_429 = arith.select %parallel_loop3A_399, %parallel_loop3A_426, %parallel_loop3A_428 : vector<16xi1>, vector<16xf32>
      %parallel_loop3A_430 = arith.constant 16 : i32
      %parallel_loop3A_431 = arith.addi %parallel_loop3A_341, %parallel_loop3A_430 : i32
      %parallel_loop3A_432 = arith.constant -1 : i32
      %parallel_loop3A_433 = vector.broadcast %parallel_loop3A_432 : i32 to vector<16xi32>
      %parallel_loop3A_434 = arith.select %parallel_loop3A_395, %parallel_loop3A_227#7, %parallel_loop3A_433 : vector<16xi1>, vector<16xi32>
      %parallel_loop3A_435 = arith.index_cast %parallel_loop3A_431 : i32 to index
      %parallel_loop3A_436 = tpu.vector_load %arg15[%parallel_loop3A_435] {strides = array<i32>} : memref<4096xi32, #tpu.memory_space<vmem>>, vector<16xi32>,
      tpu.vector_store %arg15[%parallel_loop3A_435], %parallel_loop3A_434 {strides = array<i32>} : memref<4096xi32, #tpu.memory_space<vmem>>, vector<16xi32>,
      %parallel_loop3A_437 = arith.constant -1 : i32
      %parallel_loop3A_438 = vector.broadcast %parallel_loop3A_437 : i32 to vector<16xi32>
      %parallel_loop3A_439 = arith.select %parallel_loop3A_395, %parallel_loop3A_68, %parallel_loop3A_438 : vector<16xi1>, vector<16xi32>
      %parallel_loop3A_440 = arith.index_cast %parallel_loop3A_431 : i32 to index
      %parallel_loop3A_441 = tpu.vector_load %arg16[%parallel_loop3A_440] {strides = array<i32>} : memref<4096xi32, #tpu.memory_space<vmem>>, vector<16xi32>,
      tpu.vector_store %arg16[%parallel_loop3A_440], %parallel_loop3A_439 {strides = array<i32>} : memref<4096xi32, #tpu.memory_space<vmem>>, vector<16xi32>,
      %parallel_loop3A_442 = arith.index_cast %parallel_loop3A_431 : i32 to index
      %parallel_loop3A_443 = tpu.vector_load %arg17[%parallel_loop3A_442] {strides = array<i32>} : memref<4096xf32, #tpu.memory_space<vmem>>, vector<16xf32>,
      tpu.vector_store %arg17[%parallel_loop3A_442], %parallel_loop3A_429 {strides = array<i32>} : memref<4096xf32, #tpu.memory_space<vmem>>, vector<16xf32>,
      %parallel_loop3A_444 = arith.constant 4 : i32
      %parallel_loop3A_445 = arith.muli %parallel_loop3A_444, %parallel_loop3A_29 : i32
      %parallel_loop3A_446 = arith.constant 2 : i32
      %parallel_loop3A_447 = arith.addi %parallel_loop3A_445, %parallel_loop3A_446 : i32
      %parallel_loop3A_448 = arith.constant 32 : i32
      %parallel_loop3A_449 = arith.muli %parallel_loop3A_447, %parallel_loop3A_448 : i32
      %parallel_loop3A_450 = arith.constant 2.500000e+01 : f32
      %parallel_loop3A_451 = vector.broadcast %parallel_loop3A_450 : f32 to vector<16xf32>
      %parallel_loop3A_452 = arith.cmpf ole, %parallel_loop3A_227#8, %parallel_loop3A_451 : vector<16xf32>
      %parallel_loop3A_453 = arith.constant 0.000000e+00 : f32
      %parallel_loop3A_454 = vector.broadcast %parallel_loop3A_453 : f32 to vector<16xf32>
      %parallel_loop3A_455 = arith.cmpf ogt, %parallel_loop3A_227#8, %parallel_loop3A_454 : vector<16xf32>
      %parallel_loop3A_456 = arith.andi %parallel_loop3A_452, %parallel_loop3A_455 : vector<16xi1>
      %parallel_loop3A_457 = arith.constant 1.000000e+00 : f32
      %parallel_loop3A_458 = vector.broadcast %parallel_loop3A_457 : f32 to vector<16xf32>
      %parallel_loop3A_459 = arith.select %parallel_loop3A_456, %parallel_loop3A_227#8, %parallel_loop3A_458 : vector<16xi1>, vector<16xf32>
      %parallel_loop3A_460 = vector.bitcast %parallel_loop3A_459 : vector<16xf32> to vector<16xi32>
      %parallel_loop3A_461 = arith.constant 1 : i32
      %parallel_loop3A_462 = vector.broadcast %parallel_loop3A_461 : i32 to vector<16xi32>
      %parallel_loop3A_463 = arith.shrsi %parallel_loop3A_460, %parallel_loop3A_462 : vector<16xi32>
      %parallel_loop3A_464 = arith.constant 1597463007 : i32
      %parallel_loop3A_465 = vector.broadcast %parallel_loop3A_464 : i32 to vector<16xi32>
      %parallel_loop3A_466 = arith.subi %parallel_loop3A_465, %parallel_loop3A_463 : vector<16xi32>
      %parallel_loop3A_467 = vector.bitcast %parallel_loop3A_466 : vector<16xi32> to vector<16xf32>
      %parallel_loop3A_468 = arith.constant 5.000000e-01 : f32
      %parallel_loop3A_469 = vector.broadcast %parallel_loop3A_468 : f32 to vector<16xf32>
      %parallel_loop3A_470 = arith.mulf %parallel_loop3A_469, %parallel_loop3A_459 : vector<16xf32>
      %parallel_loop3A_471 = arith.mulf %parallel_loop3A_470, %parallel_loop3A_467 : vector<16xf32>
      %parallel_loop3A_472 = arith.mulf %parallel_loop3A_471, %parallel_loop3A_467 : vector<16xf32>
      %parallel_loop3A_473 = arith.constant 1.500000e+00 : f32
      %parallel_loop3A_474 = vector.broadcast %parallel_loop3A_473 : f32 to vector<16xf32>
      %parallel_loop3A_475 = arith.subf %parallel_loop3A_474, %parallel_loop3A_472 : vector<16xf32>
      %parallel_loop3A_476 = arith.mulf %parallel_loop3A_467, %parallel_loop3A_475 : vector<16xf32>
      %parallel_loop3A_477 = arith.mulf %parallel_loop3A_470, %parallel_loop3A_476 : vector<16xf32>
      %parallel_loop3A_478 = arith.mulf %parallel_loop3A_477, %parallel_loop3A_476 : vector<16xf32>
      %parallel_loop3A_479 = arith.constant 1.500000e+00 : f32
      %parallel_loop3A_480 = vector.broadcast %parallel_loop3A_479 : f32 to vector<16xf32>
      %parallel_loop3A_481 = arith.subf %parallel_loop3A_480, %parallel_loop3A_478 : vector<16xf32>
      %parallel_loop3A_482 = arith.mulf %parallel_loop3A_476, %parallel_loop3A_481 : vector<16xf32>
      %parallel_loop3A_483 = arith.mulf %parallel_loop3A_459, %parallel_loop3A_482 : vector<16xf32>
      %parallel_loop3A_484 = arith.constant 0.000000e+00 : f32
      %parallel_loop3A_485 = vector.broadcast %parallel_loop3A_484 : f32 to vector<16xf32>
      %parallel_loop3A_486 = arith.select %parallel_loop3A_456, %parallel_loop3A_483, %parallel_loop3A_485 : vector<16xi1>, vector<16xf32>
      %parallel_loop3A_487 = arith.constant 0 : i32
      %parallel_loop3A_488 = arith.addi %parallel_loop3A_449, %parallel_loop3A_487 : i32
      %parallel_loop3A_489 = arith.constant -1 : i32
      %parallel_loop3A_490 = vector.broadcast %parallel_loop3A_489 : i32 to vector<16xi32>
      %parallel_loop3A_491 = arith.select %parallel_loop3A_452, %parallel_loop3A_227#9, %parallel_loop3A_490 : vector<16xi1>, vector<16xi32>
      %parallel_loop3A_492 = arith.index_cast %parallel_loop3A_488 : i32 to index
      %parallel_loop3A_493 = tpu.vector_load %arg15[%parallel_loop3A_492] {strides = array<i32>} : memref<4096xi32, #tpu.memory_space<vmem>>, vector<16xi32>,
      tpu.vector_store %arg15[%parallel_loop3A_492], %parallel_loop3A_491 {strides = array<i32>} : memref<4096xi32, #tpu.memory_space<vmem>>, vector<16xi32>,
      %parallel_loop3A_494 = arith.constant -1 : i32
      %parallel_loop3A_495 = vector.broadcast %parallel_loop3A_494 : i32 to vector<16xi32>
      %parallel_loop3A_496 = arith.select %parallel_loop3A_452, %parallel_loop3A_86, %parallel_loop3A_495 : vector<16xi1>, vector<16xi32>
      %parallel_loop3A_497 = arith.index_cast %parallel_loop3A_488 : i32 to index
      %parallel_loop3A_498 = tpu.vector_load %arg16[%parallel_loop3A_497] {strides = array<i32>} : memref<4096xi32, #tpu.memory_space<vmem>>, vector<16xi32>,
      tpu.vector_store %arg16[%parallel_loop3A_497], %parallel_loop3A_496 {strides = array<i32>} : memref<4096xi32, #tpu.memory_space<vmem>>, vector<16xi32>,
      %parallel_loop3A_499 = arith.index_cast %parallel_loop3A_488 : i32 to index
      %parallel_loop3A_500 = tpu.vector_load %arg17[%parallel_loop3A_499] {strides = array<i32>} : memref<4096xf32, #tpu.memory_space<vmem>>, vector<16xf32>,
      tpu.vector_store %arg17[%parallel_loop3A_499], %parallel_loop3A_486 {strides = array<i32>} : memref<4096xf32, #tpu.memory_space<vmem>>, vector<16xf32>,
      %parallel_loop3A_501 = arith.constant 2.500000e+01 : f32
      %parallel_loop3A_502 = vector.broadcast %parallel_loop3A_501 : f32 to vector<16xf32>
      %parallel_loop3A_503 = arith.cmpf ole, %parallel_loop3A_227#10, %parallel_loop3A_502 : vector<16xf32>
      %parallel_loop3A_504 = arith.constant 0.000000e+00 : f32
      %parallel_loop3A_505 = vector.broadcast %parallel_loop3A_504 : f32 to vector<16xf32>
      %parallel_loop3A_506 = arith.cmpf ogt, %parallel_loop3A_227#10, %parallel_loop3A_505 : vector<16xf32>
      %parallel_loop3A_507 = arith.andi %parallel_loop3A_503, %parallel_loop3A_506 : vector<16xi1>
      %parallel_loop3A_508 = arith.constant 1.000000e+00 : f32
      %parallel_loop3A_509 = vector.broadcast %parallel_loop3A_508 : f32 to vector<16xf32>
      %parallel_loop3A_510 = arith.select %parallel_loop3A_507, %parallel_loop3A_227#10, %parallel_loop3A_509 : vector<16xi1>, vector<16xf32>
      %parallel_loop3A_511 = vector.bitcast %parallel_loop3A_510 : vector<16xf32> to vector<16xi32>
      %parallel_loop3A_512 = arith.constant 1 : i32
      %parallel_loop3A_513 = vector.broadcast %parallel_loop3A_512 : i32 to vector<16xi32>
      %parallel_loop3A_514 = arith.shrsi %parallel_loop3A_511, %parallel_loop3A_513 : vector<16xi32>
      %parallel_loop3A_515 = arith.constant 1597463007 : i32
      %parallel_loop3A_516 = vector.broadcast %parallel_loop3A_515 : i32 to vector<16xi32>
      %parallel_loop3A_517 = arith.subi %parallel_loop3A_516, %parallel_loop3A_514 : vector<16xi32>
      %parallel_loop3A_518 = vector.bitcast %parallel_loop3A_517 : vector<16xi32> to vector<16xf32>
      %parallel_loop3A_519 = arith.constant 5.000000e-01 : f32
      %parallel_loop3A_520 = vector.broadcast %parallel_loop3A_519 : f32 to vector<16xf32>
      %parallel_loop3A_521 = arith.mulf %parallel_loop3A_520, %parallel_loop3A_510 : vector<16xf32>
      %parallel_loop3A_522 = arith.mulf %parallel_loop3A_521, %parallel_loop3A_518 : vector<16xf32>
      %parallel_loop3A_523 = arith.mulf %parallel_loop3A_522, %parallel_loop3A_518 : vector<16xf32>
      %parallel_loop3A_524 = arith.constant 1.500000e+00 : f32
      %parallel_loop3A_525 = vector.broadcast %parallel_loop3A_524 : f32 to vector<16xf32>
      %parallel_loop3A_526 = arith.subf %parallel_loop3A_525, %parallel_loop3A_523 : vector<16xf32>
      %parallel_loop3A_527 = arith.mulf %parallel_loop3A_518, %parallel_loop3A_526 : vector<16xf32>
      %parallel_loop3A_528 = arith.mulf %parallel_loop3A_521, %parallel_loop3A_527 : vector<16xf32>
      %parallel_loop3A_529 = arith.mulf %parallel_loop3A_528, %parallel_loop3A_527 : vector<16xf32>
      %parallel_loop3A_530 = arith.constant 1.500000e+00 : f32
      %parallel_loop3A_531 = vector.broadcast %parallel_loop3A_530 : f32 to vector<16xf32>
      %parallel_loop3A_532 = arith.subf %parallel_loop3A_531, %parallel_loop3A_529 : vector<16xf32>
      %parallel_loop3A_533 = arith.mulf %parallel_loop3A_527, %parallel_loop3A_532 : vector<16xf32>
      %parallel_loop3A_534 = arith.mulf %parallel_loop3A_510, %parallel_loop3A_533 : vector<16xf32>
      %parallel_loop3A_535 = arith.constant 0.000000e+00 : f32
      %parallel_loop3A_536 = vector.broadcast %parallel_loop3A_535 : f32 to vector<16xf32>
      %parallel_loop3A_537 = arith.select %parallel_loop3A_507, %parallel_loop3A_534, %parallel_loop3A_536 : vector<16xi1>, vector<16xf32>
      %parallel_loop3A_538 = arith.constant 16 : i32
      %parallel_loop3A_539 = arith.addi %parallel_loop3A_449, %parallel_loop3A_538 : i32
      %parallel_loop3A_540 = arith.constant -1 : i32
      %parallel_loop3A_541 = vector.broadcast %parallel_loop3A_540 : i32 to vector<16xi32>
      %parallel_loop3A_542 = arith.select %parallel_loop3A_503, %parallel_loop3A_227#11, %parallel_loop3A_541 : vector<16xi1>, vector<16xi32>
      %parallel_loop3A_543 = arith.index_cast %parallel_loop3A_539 : i32 to index
      %parallel_loop3A_544 = tpu.vector_load %arg15[%parallel_loop3A_543] {strides = array<i32>} : memref<4096xi32, #tpu.memory_space<vmem>>, vector<16xi32>,
      tpu.vector_store %arg15[%parallel_loop3A_543], %parallel_loop3A_542 {strides = array<i32>} : memref<4096xi32, #tpu.memory_space<vmem>>, vector<16xi32>,
      %parallel_loop3A_545 = arith.constant -1 : i32
      %parallel_loop3A_546 = vector.broadcast %parallel_loop3A_545 : i32 to vector<16xi32>
      %parallel_loop3A_547 = arith.select %parallel_loop3A_503, %parallel_loop3A_86, %parallel_loop3A_546 : vector<16xi1>, vector<16xi32>
      %parallel_loop3A_548 = arith.index_cast %parallel_loop3A_539 : i32 to index
      %parallel_loop3A_549 = tpu.vector_load %arg16[%parallel_loop3A_548] {strides = array<i32>} : memref<4096xi32, #tpu.memory_space<vmem>>, vector<16xi32>,
      tpu.vector_store %arg16[%parallel_loop3A_548], %parallel_loop3A_547 {strides = array<i32>} : memref<4096xi32, #tpu.memory_space<vmem>>, vector<16xi32>,
      %parallel_loop3A_550 = arith.index_cast %parallel_loop3A_539 : i32 to index
      %parallel_loop3A_551 = tpu.vector_load %arg17[%parallel_loop3A_550] {strides = array<i32>} : memref<4096xf32, #tpu.memory_space<vmem>>, vector<16xf32>,
      tpu.vector_store %arg17[%parallel_loop3A_550], %parallel_loop3A_537 {strides = array<i32>} : memref<4096xf32, #tpu.memory_space<vmem>>, vector<16xf32>,
      %parallel_loop3A_552 = arith.constant 4 : i32
      %parallel_loop3A_553 = arith.muli %parallel_loop3A_552, %parallel_loop3A_29 : i32
      %parallel_loop3A_554 = arith.constant 3 : i32
      %parallel_loop3A_555 = arith.addi %parallel_loop3A_553, %parallel_loop3A_554 : i32
      %parallel_loop3A_556 = arith.constant 32 : i32
      %parallel_loop3A_557 = arith.muli %parallel_loop3A_555, %parallel_loop3A_556 : i32
      %parallel_loop3A_558 = arith.constant 2.500000e+01 : f32
      %parallel_loop3A_559 = vector.broadcast %parallel_loop3A_558 : f32 to vector<16xf32>
      %parallel_loop3A_560 = arith.cmpf ole, %parallel_loop3A_227#12, %parallel_loop3A_559 : vector<16xf32>
      %parallel_loop3A_561 = arith.constant 0.000000e+00 : f32
      %parallel_loop3A_562 = vector.broadcast %parallel_loop3A_561 : f32 to vector<16xf32>
      %parallel_loop3A_563 = arith.cmpf ogt, %parallel_loop3A_227#12, %parallel_loop3A_562 : vector<16xf32>
      %parallel_loop3A_564 = arith.andi %parallel_loop3A_560, %parallel_loop3A_563 : vector<16xi1>
      %parallel_loop3A_565 = arith.constant 1.000000e+00 : f32
      %parallel_loop3A_566 = vector.broadcast %parallel_loop3A_565 : f32 to vector<16xf32>
      %parallel_loop3A_567 = arith.select %parallel_loop3A_564, %parallel_loop3A_227#12, %parallel_loop3A_566 : vector<16xi1>, vector<16xf32>
      %parallel_loop3A_568 = vector.bitcast %parallel_loop3A_567 : vector<16xf32> to vector<16xi32>
      %parallel_loop3A_569 = arith.constant 1 : i32
      %parallel_loop3A_570 = vector.broadcast %parallel_loop3A_569 : i32 to vector<16xi32>
      %parallel_loop3A_571 = arith.shrsi %parallel_loop3A_568, %parallel_loop3A_570 : vector<16xi32>
      %parallel_loop3A_572 = arith.constant 1597463007 : i32
      %parallel_loop3A_573 = vector.broadcast %parallel_loop3A_572 : i32 to vector<16xi32>
      %parallel_loop3A_574 = arith.subi %parallel_loop3A_573, %parallel_loop3A_571 : vector<16xi32>
      %parallel_loop3A_575 = vector.bitcast %parallel_loop3A_574 : vector<16xi32> to vector<16xf32>
      %parallel_loop3A_576 = arith.constant 5.000000e-01 : f32
      %parallel_loop3A_577 = vector.broadcast %parallel_loop3A_576 : f32 to vector<16xf32>
      %parallel_loop3A_578 = arith.mulf %parallel_loop3A_577, %parallel_loop3A_567 : vector<16xf32>
      %parallel_loop3A_579 = arith.mulf %parallel_loop3A_578, %parallel_loop3A_575 : vector<16xf32>
      %parallel_loop3A_580 = arith.mulf %parallel_loop3A_579, %parallel_loop3A_575 : vector<16xf32>
      %parallel_loop3A_581 = arith.constant 1.500000e+00 : f32
      %parallel_loop3A_582 = vector.broadcast %parallel_loop3A_581 : f32 to vector<16xf32>
      %parallel_loop3A_583 = arith.subf %parallel_loop3A_582, %parallel_loop3A_580 : vector<16xf32>
      %parallel_loop3A_584 = arith.mulf %parallel_loop3A_575, %parallel_loop3A_583 : vector<16xf32>
      %parallel_loop3A_585 = arith.mulf %parallel_loop3A_578, %parallel_loop3A_584 : vector<16xf32>
      %parallel_loop3A_586 = arith.mulf %parallel_loop3A_585, %parallel_loop3A_584 : vector<16xf32>
      %parallel_loop3A_587 = arith.constant 1.500000e+00 : f32
      %parallel_loop3A_588 = vector.broadcast %parallel_loop3A_587 : f32 to vector<16xf32>
      %parallel_loop3A_589 = arith.subf %parallel_loop3A_588, %parallel_loop3A_586 : vector<16xf32>
      %parallel_loop3A_590 = arith.mulf %parallel_loop3A_584, %parallel_loop3A_589 : vector<16xf32>
      %parallel_loop3A_591 = arith.mulf %parallel_loop3A_567, %parallel_loop3A_590 : vector<16xf32>
      %parallel_loop3A_592 = arith.constant 0.000000e+00 : f32
      %parallel_loop3A_593 = vector.broadcast %parallel_loop3A_592 : f32 to vector<16xf32>
      %parallel_loop3A_594 = arith.select %parallel_loop3A_564, %parallel_loop3A_591, %parallel_loop3A_593 : vector<16xi1>, vector<16xf32>
      %parallel_loop3A_595 = arith.constant 0 : i32
      %parallel_loop3A_596 = arith.addi %parallel_loop3A_557, %parallel_loop3A_595 : i32
      %parallel_loop3A_597 = arith.constant -1 : i32
      %parallel_loop3A_598 = vector.broadcast %parallel_loop3A_597 : i32 to vector<16xi32>
      %parallel_loop3A_599 = arith.select %parallel_loop3A_560, %parallel_loop3A_227#13, %parallel_loop3A_598 : vector<16xi1>, vector<16xi32>
      %parallel_loop3A_600 = arith.index_cast %parallel_loop3A_596 : i32 to index
      %parallel_loop3A_601 = tpu.vector_load %arg15[%parallel_loop3A_600] {strides = array<i32>} : memref<4096xi32, #tpu.memory_space<vmem>>, vector<16xi32>,
      tpu.vector_store %arg15[%parallel_loop3A_600], %parallel_loop3A_599 {strides = array<i32>} : memref<4096xi32, #tpu.memory_space<vmem>>, vector<16xi32>,
      %parallel_loop3A_602 = arith.constant -1 : i32
      %parallel_loop3A_603 = vector.broadcast %parallel_loop3A_602 : i32 to vector<16xi32>
      %parallel_loop3A_604 = arith.select %parallel_loop3A_560, %parallel_loop3A_104, %parallel_loop3A_603 : vector<16xi1>, vector<16xi32>
      %parallel_loop3A_605 = arith.index_cast %parallel_loop3A_596 : i32 to index
      %parallel_loop3A_606 = tpu.vector_load %arg16[%parallel_loop3A_605] {strides = array<i32>} : memref<4096xi32, #tpu.memory_space<vmem>>, vector<16xi32>,
      tpu.vector_store %arg16[%parallel_loop3A_605], %parallel_loop3A_604 {strides = array<i32>} : memref<4096xi32, #tpu.memory_space<vmem>>, vector<16xi32>,
      %parallel_loop3A_607 = arith.index_cast %parallel_loop3A_596 : i32 to index
      %parallel_loop3A_608 = tpu.vector_load %arg17[%parallel_loop3A_607] {strides = array<i32>} : memref<4096xf32, #tpu.memory_space<vmem>>, vector<16xf32>,
      tpu.vector_store %arg17[%parallel_loop3A_607], %parallel_loop3A_594 {strides = array<i32>} : memref<4096xf32, #tpu.memory_space<vmem>>, vector<16xf32>,
      %parallel_loop3A_609 = arith.constant 2.500000e+01 : f32
      %parallel_loop3A_610 = vector.broadcast %parallel_loop3A_609 : f32 to vector<16xf32>
      %parallel_loop3A_611 = arith.cmpf ole, %parallel_loop3A_227#14, %parallel_loop3A_610 : vector<16xf32>
      %parallel_loop3A_612 = arith.constant 0.000000e+00 : f32
      %parallel_loop3A_613 = vector.broadcast %parallel_loop3A_612 : f32 to vector<16xf32>
      %parallel_loop3A_614 = arith.cmpf ogt, %parallel_loop3A_227#14, %parallel_loop3A_613 : vector<16xf32>
      %parallel_loop3A_615 = arith.andi %parallel_loop3A_611, %parallel_loop3A_614 : vector<16xi1>
      %parallel_loop3A_616 = arith.constant 1.000000e+00 : f32
      %parallel_loop3A_617 = vector.broadcast %parallel_loop3A_616 : f32 to vector<16xf32>
      %parallel_loop3A_618 = arith.select %parallel_loop3A_615, %parallel_loop3A_227#14, %parallel_loop3A_617 : vector<16xi1>, vector<16xf32>
      %parallel_loop3A_619 = vector.bitcast %parallel_loop3A_618 : vector<16xf32> to vector<16xi32>
      %parallel_loop3A_620 = arith.constant 1 : i32
      %parallel_loop3A_621 = vector.broadcast %parallel_loop3A_620 : i32 to vector<16xi32>
      %parallel_loop3A_622 = arith.shrsi %parallel_loop3A_619, %parallel_loop3A_621 : vector<16xi32>
      %parallel_loop3A_623 = arith.constant 1597463007 : i32
      %parallel_loop3A_624 = vector.broadcast %parallel_loop3A_623 : i32 to vector<16xi32>
      %parallel_loop3A_625 = arith.subi %parallel_loop3A_624, %parallel_loop3A_622 : vector<16xi32>
      %parallel_loop3A_626 = vector.bitcast %parallel_loop3A_625 : vector<16xi32> to vector<16xf32>
      %parallel_loop3A_627 = arith.constant 5.000000e-01 : f32
      %parallel_loop3A_628 = vector.broadcast %parallel_loop3A_627 : f32 to vector<16xf32>
      %parallel_loop3A_629 = arith.mulf %parallel_loop3A_628, %parallel_loop3A_618 : vector<16xf32>
      %parallel_loop3A_630 = arith.mulf %parallel_loop3A_629, %parallel_loop3A_626 : vector<16xf32>
      %parallel_loop3A_631 = arith.mulf %parallel_loop3A_630, %parallel_loop3A_626 : vector<16xf32>
      %parallel_loop3A_632 = arith.constant 1.500000e+00 : f32
      %parallel_loop3A_633 = vector.broadcast %parallel_loop3A_632 : f32 to vector<16xf32>
      %parallel_loop3A_634 = arith.subf %parallel_loop3A_633, %parallel_loop3A_631 : vector<16xf32>
      %parallel_loop3A_635 = arith.mulf %parallel_loop3A_626, %parallel_loop3A_634 : vector<16xf32>
      %parallel_loop3A_636 = arith.mulf %parallel_loop3A_629, %parallel_loop3A_635 : vector<16xf32>
      %parallel_loop3A_637 = arith.mulf %parallel_loop3A_636, %parallel_loop3A_635 : vector<16xf32>
      %parallel_loop3A_638 = arith.constant 1.500000e+00 : f32
      %parallel_loop3A_639 = vector.broadcast %parallel_loop3A_638 : f32 to vector<16xf32>
      %parallel_loop3A_640 = arith.subf %parallel_loop3A_639, %parallel_loop3A_637 : vector<16xf32>
      %parallel_loop3A_641 = arith.mulf %parallel_loop3A_635, %parallel_loop3A_640 : vector<16xf32>
      %parallel_loop3A_642 = arith.mulf %parallel_loop3A_618, %parallel_loop3A_641 : vector<16xf32>
      %parallel_loop3A_643 = arith.constant 0.000000e+00 : f32
      %parallel_loop3A_644 = vector.broadcast %parallel_loop3A_643 : f32 to vector<16xf32>
      %parallel_loop3A_645 = arith.select %parallel_loop3A_615, %parallel_loop3A_642, %parallel_loop3A_644 : vector<16xi1>, vector<16xf32>
      %parallel_loop3A_646 = arith.constant 16 : i32
      %parallel_loop3A_647 = arith.addi %parallel_loop3A_557, %parallel_loop3A_646 : i32
      %parallel_loop3A_648 = arith.constant -1 : i32
      %parallel_loop3A_649 = vector.broadcast %parallel_loop3A_648 : i32 to vector<16xi32>
      %parallel_loop3A_650 = arith.select %parallel_loop3A_611, %parallel_loop3A_227#15, %parallel_loop3A_649 : vector<16xi1>, vector<16xi32>
      %parallel_loop3A_651 = arith.index_cast %parallel_loop3A_647 : i32 to index
      %parallel_loop3A_652 = tpu.vector_load %arg15[%parallel_loop3A_651] {strides = array<i32>} : memref<4096xi32, #tpu.memory_space<vmem>>, vector<16xi32>,
      tpu.vector_store %arg15[%parallel_loop3A_651], %parallel_loop3A_650 {strides = array<i32>} : memref<4096xi32, #tpu.memory_space<vmem>>, vector<16xi32>,
      %parallel_loop3A_653 = arith.constant -1 : i32
      %parallel_loop3A_654 = vector.broadcast %parallel_loop3A_653 : i32 to vector<16xi32>
      %parallel_loop3A_655 = arith.select %parallel_loop3A_611, %parallel_loop3A_104, %parallel_loop3A_654 : vector<16xi1>, vector<16xi32>
      %parallel_loop3A_656 = arith.index_cast %parallel_loop3A_647 : i32 to index
      %parallel_loop3A_657 = tpu.vector_load %arg16[%parallel_loop3A_656] {strides = array<i32>} : memref<4096xi32, #tpu.memory_space<vmem>>, vector<16xi32>,
      tpu.vector_store %arg16[%parallel_loop3A_656], %parallel_loop3A_655 {strides = array<i32>} : memref<4096xi32, #tpu.memory_space<vmem>>, vector<16xi32>,
      %parallel_loop3A_658 = arith.index_cast %parallel_loop3A_647 : i32 to index
      %parallel_loop3A_659 = tpu.vector_load %arg17[%parallel_loop3A_658] {strides = array<i32>} : memref<4096xf32, #tpu.memory_space<vmem>>, vector<16xf32>,
      tpu.vector_store %arg17[%parallel_loop3A_658], %parallel_loop3A_645 {strides = array<i32>} : memref<4096xf32, #tpu.memory_space<vmem>>, vector<16xf32>,
    } {sc.loop_unroll_factor = 1 : i64, sc.parallel_access}
    %mul3A_26 = arith.constant 32 : i32
    %mul3A_27 = arith.muli %mul3A_2, %mul3A_26 : i32
    %run_scoped3A = arith.constant 0 : i32
    "tpu.region"() ({
      %run_scoped3A_29 = tpu.sem_alloc : memref<!tpu.dma_semaphore, #tpu.memory_space<semaphore_mem>>
      %dma_start3A_30 = tpu.memref_slice %arg6[%run_scoped3A, %mul3A_27] : memref<2x131072xi32, #tpu.memory_space<hbm>> -> memref<1x4096xi32, #tpu.memory_space<hbm>>
      %dma_start3A_31 = tpu.memref_squeeze %dma_start3A_30 : memref<1x4096xi32, #tpu.memory_space<hbm>> -> memref<4096xi32, #tpu.memory_space<hbm>>
      %dma_start3A_32 = tpu.memref_slice %arg6[%run_scoped3A, %mul3A_27] : memref<2x131072xi32, #tpu.memory_space<hbm>> -> memref<1x4096xi32, #tpu.memory_space<hbm>>
      %dma_start3A_33 = tpu.memref_squeeze %dma_start3A_32 : memref<1x4096xi32, #tpu.memory_space<hbm>> -> memref<4096xi32, #tpu.memory_space<hbm>>
      tpu.enqueue_dma source(%arg15 : memref<4096xi32, #tpu.memory_space<vmem>>) target(%dma_start3A_33 : memref<4096xi32, #tpu.memory_space<hbm>>) target_semaphore(%run_scoped3A_29 : memref<!tpu.dma_semaphore, #tpu.memory_space<semaphore_mem>>)
      %dma_wait3A_34 = tpu.memref_slice %arg6[%run_scoped3A, %mul3A_27] : memref<2x131072xi32, #tpu.memory_space<hbm>> -> memref<1x4096xi32, #tpu.memory_space<hbm>>
      %dma_wait3A_35 = tpu.memref_squeeze %dma_wait3A_34 : memref<1x4096xi32, #tpu.memory_space<hbm>> -> memref<4096xi32, #tpu.memory_space<hbm>>
      %dma_wait3A_36 = tpu.memref_slice %arg6[%run_scoped3A, %mul3A_27] : memref<2x131072xi32, #tpu.memory_space<hbm>> -> memref<1x4096xi32, #tpu.memory_space<hbm>>
      %dma_wait3A_37 = tpu.memref_squeeze %dma_wait3A_36 : memref<1x4096xi32, #tpu.memory_space<hbm>> -> memref<4096xi32, #tpu.memory_space<hbm>>
      tpu.wait_dma2 semaphore(%run_scoped3A_29 : memref<!tpu.dma_semaphore, #tpu.memory_space<semaphore_mem>>) src(%arg15 : memref<4096xi32, #tpu.memory_space<vmem>>) dst(%dma_wait3A_37 : memref<4096xi32, #tpu.memory_space<hbm>>)
      tpu.yield
    }) : () -> ()
    %run_scoped3A_28 = arith.constant 1 : i32
    "tpu.region"() ({
      %run_scoped3A_29 = tpu.sem_alloc : memref<!tpu.dma_semaphore, #tpu.memory_space<semaphore_mem>>
      %dma_start3A_30 = tpu.memref_slice %arg6[%run_scoped3A_28, %mul3A_27] : memref<2x131072xi32, #tpu.memory_space<hbm>> -> memref<1x4096xi32, #tpu.memory_space<hbm>>
      %dma_start3A_31 = tpu.memref_squeeze %dma_start3A_30 : memref<1x4096xi32, #tpu.memory_space<hbm>> -> memref<4096xi32, #tpu.memory_space<hbm>>
      %dma_start3A_32 = tpu.memref_slice %arg6[%run_scoped3A_28, %mul3A_27] : memref<2x131072xi32, #tpu.memory_space<hbm>> -> memref<1x4096xi32, #tpu.memory_space<hbm>>
      %dma_start3A_33 = tpu.memref_squeeze %dma_start3A_32 : memref<1x4096xi32, #tpu.memory_space<hbm>> -> memref<4096xi32, #tpu.memory_space<hbm>>
      tpu.enqueue_dma source(%arg16 : memref<4096xi32, #tpu.memory_space<vmem>>) target(%dma_start3A_33 : memref<4096xi32, #tpu.memory_space<hbm>>) target_semaphore(%run_scoped3A_29 : memref<!tpu.dma_semaphore, #tpu.memory_space<semaphore_mem>>)
      %dma_wait3A_34 = tpu.memref_slice %arg6[%run_scoped3A_28, %mul3A_27] : memref<2x131072xi32, #tpu.memory_space<hbm>> -> memref<1x4096xi32, #tpu.memory_space<hbm>>
      %dma_wait3A_35 = tpu.memref_squeeze %dma_wait3A_34 : memref<1x4096xi32, #tpu.memory_space<hbm>> -> memref<4096xi32, #tpu.memory_space<hbm>>
      %dma_wait3A_36 = tpu.memref_slice %arg6[%run_scoped3A_28, %mul3A_27] : memref<2x131072xi32, #tpu.memory_space<hbm>> -> memref<1x4096xi32, #tpu.memory_space<hbm>>
      %dma_wait3A_37 = tpu.memref_squeeze %dma_wait3A_36 : memref<1x4096xi32, #tpu.memory_space<hbm>> -> memref<4096xi32, #tpu.memory_space<hbm>>
      tpu.wait_dma2 semaphore(%run_scoped3A_29 : memref<!tpu.dma_semaphore, #tpu.memory_space<semaphore_mem>>) src(%arg16 : memref<4096xi32, #tpu.memory_space<vmem>>) dst(%dma_wait3A_37 : memref<4096xi32, #tpu.memory_space<hbm>>)
      tpu.yield
    }) : () -> ()
    "tpu.region"() ({
      %run_scoped3A_29 = tpu.sem_alloc : memref<!tpu.dma_semaphore, #tpu.memory_space<semaphore_mem>>
      %dma_start3A_30 = tpu.memref_slice %arg7[%mul3A_27] : memref<131072xf32, #tpu.memory_space<hbm>> -> memref<4096xf32, #tpu.memory_space<hbm>>
      %dma_start3A_31 = tpu.memref_slice %arg7[%mul3A_27] : memref<131072xf32, #tpu.memory_space<hbm>> -> memref<4096xf32, #tpu.memory_space<hbm>>
      tpu.enqueue_dma source(%arg17 : memref<4096xf32, #tpu.memory_space<vmem>>) target(%dma_start3A_31 : memref<4096xf32, #tpu.memory_space<hbm>>) target_semaphore(%run_scoped3A_29 : memref<!tpu.dma_semaphore, #tpu.memory_space<semaphore_mem>>)
      %dma_wait3A_32 = tpu.memref_slice %arg7[%mul3A_27] : memref<131072xf32, #tpu.memory_space<hbm>> -> memref<4096xf32, #tpu.memory_space<hbm>>
      %dma_wait3A_33 = tpu.memref_slice %arg7[%mul3A_27] : memref<131072xf32, #tpu.memory_space<hbm>> -> memref<4096xf32, #tpu.memory_space<hbm>>
      tpu.wait_dma2 semaphore(%run_scoped3A_29 : memref<!tpu.dma_semaphore, #tpu.memory_space<semaphore_mem>>) src(%arg17 : memref<4096xf32, #tpu.memory_space<vmem>>) dst(%dma_wait3A_33 : memref<4096xf32, #tpu.memory_space<hbm>>)
      tpu.yield
    }) : () -> ()
    return
  }
}

</mosaic_0001>

<sc_bundles>
// kernel: kernel.3.cloned.1.call-start
scs
__scs_entry_jumppad:
0x0: {  	(pc) =	sbr.rel $0x88, $3  }
0x1: {  	(tag) =	ssettag $0x0;
	lr =	simm.s32 $0x1  }
0x2: {  	[smem:$0x3F9F] =	sst lr;
	_ =	strace $0xD0000000  }
0x3: {  	_ = 	snop  }
0x4: {  	_ = 	snop  }
0x5: {  	_ = 	snop  }
0x6: {  	_ = 	snop  }
0x7: {  	_ = 	snop  }
__scs_overlays_trampoline_lowered:
0x8: {  	[smem:$0x3FAE] =	sst s0  }
0x9: {  	[smem:$0x3FAF] =	sst s1  }
0xa: {  	[smem:$0x3FB0] =	sst s2  }
0xb: {  	[smem:$0x3FB1] =	sst s3  }
0xc: {  	[smem:$0x3FB2] =	sst s4  }
0xd: {  	[smem:$0x3FB3] =	sst s5  }
0xe: {  	[smem:$0x3FB4] =	sst s6  }
0xf: {  	[smem:$0x3FB5] =	sst s7  }
0x10: {  	[smem:$0x3FB6] =	sst s8  }
0x11: {  	[smem:$0x3FB7] =	sst s9;
	s0 =	simm.s32 @!p0 $0x0  }
0x12: {  	s1 =	sld [smem:$0x3F9D];
	s0 =	simm.s32 @p0 $0x1  }
0x13: {  	[smem:$0x3FB8] =	sst s0;
	s0 =	simm.s32 @!p1 $0x0  }
0x14: {  	s2 =	sld [smem:$0x3F9C];
	s0 =	simm.s32 @p1 $0x1  }
0x15: {  	[smem:$0x3FB9] =	sst s0;
	s0 =	simm.s32 @!p2 $0x0  }
0x16: {  	s3 =	sld [smem:$0x3FDB];
	s0 =	simm.s32 @p2 $0x1  }
0x17: {  	s4 =	simm.s32 $0x1BF5;
	[smem:$0x3FBB] =	sst s0  }
0x18: {  	s0 =	sld [smem:$0x3F9E];
	_ =	swait.ge [sflag:s4], $0x0  }
0x19: {  	s7 =	sld [smem:$0x3F9F]  }
0x1a: {  	s8 =	sadd.s32 $0xFFFFE003, lr  }
0x1b: {  	s9 =	sadd.s32 $0xFFFFFEF7, lr;
	s5 =	simm.s32 $0xFFFFFFFF;
	p2 =	slt.u32 s8, $0xFFFFF086  }
0x1c: {  	p1 =	slt.u32 s9, $0xF7A;
	s5 =	simm.s32 @!p2 $0x0  }
0x1d: {  	s5 =	simm.s32 @p1 $0x1;
	p0 =	seq.s32 s7, s2  }
0x1e: {  	s7 =	smul.u32 @!p0 $0xF7A, s2;
	p2 =	seq.s32 @!p0 s5, $0x0  }
0x1f: {  	s9 =	smul.u32 $0xF7A, s1;
	s8 =	simm.s32 @!p0 $0x1BF5;
	p2 =	por !p2, p0  }
0x20: {  	[sflag:s8] =	ssyncset.s32 @!p0 $0xFFFFF086;
	s6 =	sadd.s32 @!p0 s3, s7;
	s7 =	simm.s32 @!p0 $0x108  }
0x21: {  	s3 =	sadd.s32 s3, s9;
	s6 =	sadd.s32 @!p0 $0x88, s6;
	s7 =	simm.s32 @p2 $0x1082  }
0x22: {  	[simem:s7], [sflag:s8] =	dma.local @!p0 [hbm:s6], $0xF7A  }
0x23: {  	s9 =	sor.u32 $0xD0000000, s2;
	s6 =	simm.s32 $0x108;
	_ =	swait.ge @!p0 [sflag:s8], $0x0  }
0x24: {  	s3 =	sadd.s32 $0x88, s3;
	s6 =	simm.s32 @!p1 $0x1082;
	[sflag:s4] =	ssyncset.s32 $0xFFFFF086  }
0x25: {  	[simem:s6], [sflag:s4] =	dma.local [hbm:s3], $0xF7A  }
0x26: {  	[smem:$0x3F9F] =	sst s1;
	(tag) =	ssettag s2;
	_ =	strace s9  }
0x27: {  	s1 =	sld [smem:$0x3FAF]  }
0x28: {  	s2 =	sld [smem:$0x3FB0]  }
0x29: {  	s4 =	sld [smem:$0x3FB2]  }
0x2a: {  	p0 =	seq.s32 s5, $0x0;
	s5 =	sld [smem:$0x3FB3]  }
0x2b: {  	s6 =	sld [smem:$0x3FB4]  }
0x2c: {  	s7 =	sld [smem:$0x3FB5]  }
0x2d: {  	s3 =	simm.s32 $0x108;
	s8 =	sld [smem:$0x3FB6]  }
0x2e: {  	s3 =	simm.s32 @!p0 $0x1082;
	s9 =	sld [smem:$0x3FB7]  }
0x2f: {  	lr =	sadd.s32 s0, s3;
	s0 =	sld [smem:$0x3FAE]  }
0x30: {  	s3 =	sld [smem:$0x3FB1]  }
0x31: {  	[smem:$0x3FBA] =	sst s10  }
0x32: {  	s10 =	sld [smem:$0x3FB8];
	_ =	sdelay $0x3  }
0x33: {  	p0 =	seq.s32 s10, $0x1;
	s10 =	sld [smem:$0x3FBA];
	_ =	sdelay $0x3  }
0x34: {  	[smem:$0x3FBA] =	sst s10  }
0x35: {  	s10 =	sld [smem:$0x3FB9];
	_ =	sdelay $0x3  }
0x36: {  	p1 =	seq.s32 s10, $0x1;
	s10 =	sld [smem:$0x3FBA];
	_ =	sdelay $0x3  }
0x37: {  	[smem:$0x3FBA] =	sst s10  }
0x38: {  	s10 =	sld [smem:$0x3FBB]  }
0x39: {  	_ = 	snop;
	(pc) =	sbr.ind lr, $3  }
0x3a: {  	_ = 	snop  }
0x3b: {  	_ = 	snop  }
0x3c: {  	p2 =	seq.s32 s10, $0x1;
	s10 =	sld [smem:$0x3FBA]  }
0x3d: {  	_ =	shalt  }
0x3e: {  	_ =	shalt  }
0x3f: {  	_ =	shalt  }
0x40: {  	_ =	shalt  }
0x41: {  	_ =	shalt  }
0x42: {  	_ =	shalt  }
0x43: {  	_ =	shalt  }
0x44: {  	_ =	shalt  }
0x45: {  	_ =	shalt  }
0x46: {  	_ =	shalt  }
0x47: {  	_ =	shalt  }
0x48: {  	_ =	shalt  }
0x49: {  	_ =	shalt  }
0x4a: {  	_ =	shalt  }
0x4b: {  	_ =	shalt  }
0x4c: {  	_ =	shalt  }
0x4d: {  	_ =	shalt  }
0x4e: {  	_ =	shalt  }
0x4f: {  	_ =	shalt  }
0x50: {  	_ =	shalt  }
0x51: {  	_ =	shalt  }
0x52: {  	_ =	shalt  }
0x53: {  	_ =	shalt  }
0x54: {  	_ =	shalt  }
0x55: {  	_ =	shalt  }
0x56: {  	_ =	shalt  }
0x57: {  	_ =	shalt  }
0x58: {  	_ =	shalt  }
0x59: {  	_ =	shalt  }
0x5a: {  	_ =	shalt  }
0x5b: {  	_ =	shalt  }
0x5c: {  	_ =	shalt  }
0x5d: {  	_ =	shalt  }
0x5e: {  	_ =	shalt  }
0x5f: {  	_ =	shalt  }
0x60: {  	_ =	shalt  }
0x61: {  	_ =	shalt  }
0x62: {  	_ =	shalt  }
0x63: {  	_ =	shalt  }
0x64: {  	_ =	shalt  }
0x65: {  	_ =	shalt  }
0x66: {  	_ =	shalt  }
0x67: {  	_ =	shalt  }
0x68: {  	_ =	shalt  }
0x69: {  	_ =	shalt  }
0x6a: {  	_ =	shalt  }
0x6b: {  	_ =	shalt  }
0x6c: {  	_ =	shalt  }
0x6d: {  	_ =	shalt  }
0x6e: {  	_ =	shalt  }
0x6f: {  	_ =	shalt  }
0x70: {  	_ =	shalt  }
0x71: {  	_ =	shalt  }
0x72: {  	_ =	shalt  }
0x73: {  	_ =	shalt  }
0x74: {  	_ =	shalt  }
0x75: {  	_ =	shalt  }
0x76: {  	_ =	shalt  }
0x77: {  	_ =	shalt  }
0x78: {  	_ =	shalt  }
0x79: {  	_ =	shalt  }
0x7a: {  	_ =	shalt  }
0x7b: {  	_ =	shalt  }
0x7c: {  	_ =	shalt  }
0x7d: {  	_ =	shalt  }
0x7e: {  	_ =	shalt  }
0x7f: {  	_ =	shalt  }
0x80: {  	_ =	shalt  }
0x81: {  	_ =	shalt  }
0x82: {  	_ =	shalt  }
0x83: {  	_ =	shalt  }
0x84: {  	_ =	shalt  }
0x85: {  	_ =	shalt  }
0x86: {  	_ =	shalt  }
0x87: {  	_ =	shalt  }
.Lfunc_end0:
.L_simem_size_0:
called_computation_lowered:
.L_overlay_start_0:
0x88: {  	s2 =	sld [smem:$0x3FD9]  }
0x89: {  	s3 =	sld [smem:$0x3FFE];
	_ =	sdelay $0x1  }
0x8a: {  	s1 =	srdreg.scid  }
0x8b: {  	s0 =	sand.u32 $0x1, s1  }
0x8c: {  	s14 =	sshll.u32 s0, $0xA;
	s2 =	sadd.s32 s3, s2  }
0x8d: {  	s2 =	sadd.s32 s2, s14  }
0x8e: {  	[smem:$0x3FC6] =	sst s2  }
0x8f: {  	_ = 	snop  }
0x90: {  	s2 =	sld [smem:$0x3FD0];
	_ =	sdelay $0x2  }
0x91: {  	s4 =	simm.s32 $0xA;
	s5 =	simm.s32 $0x10;
	s15 =	sld [smem:$0x3FC8]  }
0x92: {  	[smem:s5], [sflag:s4] =	dma.local [hbm:s2], $0x1  }
0x93: {  	_ =	swait.eq [sflag:s4], $0x1  }
0x94: {  	[sflag:s4] =	ssyncset.done $0x0  }
0x95: {  	s16 =	sld [smem:$0x10];
	[sflag:s4] =	ssyncadd.s32 $0xFFFFFFFF  }
0x96: {  	s17 =	sld [smem:$0x11];
	(tm) =	ssettm $0x1  }
0x97: {  	s18 =	sld [smem:$0x3FFB];
	_ =	sdelay $0x3  }
0x98: {  	_ =	strace s18  }
0x99: {  	s5 =	sld [smem:$0x3FFC];
	_ =	sdelay $0x3  }
0x9a: {  	_ =	strace s5  }
0x9b: {  	s5 =	sld [smem:$0x3FFD];
	_ =	sdelay $0x3  }
0x9c: {  	_ =	strace s5  }
0x9d: {  	_ =	strace $0x8FFFFFFF  }
0x9e: {  	s19 =	sld [smem:$0x3FDB];
	_ =	sdelay $0x1  }
0x9f: {  	s6 =	simm.s32 $_scs_section_size  }
0xa0: {  	s7 =	simm.s32 $_size__tile_overlayer_lowered;
	s8 =	simm.s32 $_tile_overlayer_lowered  }
0xa1: {  	s22 =	simm.s32 $0x1BFF;
	s21 =	sshll.u32 s8, $0x1;
	s5 =	sadd.s32 s6, s19  }
0xa2: {  	s9 =	simm.s32 $0x0;
	s20 =	sshll.u32 s7, $0x1;
	s7 =	sadd.s32 s21, s5  }
0xa3: {  	[timem:s9], [sflag:s22] =	dma.local [hbm:s7], s20  }
0xa4: {  	_ =	swait.ge [sflag:s22], s20  }
0xa5: {  	s6 =	ssub.s32 $0x0, s20;
	[sflag:s22] =	ssyncset.done $0x0  }
0xa6: {  	[sflag:s22] =	ssyncadd.s32 s6;
	_ =	sdelay $0x1  }
0xa7: {  	s23 =	simm.s32 $0x1B8B  }
0xa8: {  	_ =	swait.ge [sflag:s23], $0x1  }
0xa9: {  	[sflag:s23] =	ssyncset.done $0x0  }
0xaa: {  	s25 =	simm.s32 $0x1B8E;
	s24 =	sld [smem:$0x3FFE];
	[sflag:s23] =	ssyncadd.s32 $0xFFFFFFFF  }
0xab: {  	s26 =	simm.s32 $execute0_lowered;
	[smem:$0x3FD2] =	sst s25  }
0xac: {  	s7 =	sshll.u32 s26, $0x1;
	_ =	strace $0x80000046;
	[dreg:$0x1] =	wrdreg $0xFFFFFFFF  }
0xad: {  	s28 =	simm.s32 $_size_execute0_lowered;
	s5 =	sadd.s32 s5, s7;
	[dreg:$0x0] =	wrdreg $0x0  }
0xae: {  	s7 =	sshll.u32 s28, $0x1;
	[dreg:$0x2] =	wrdreg s5  }
0xaf: {  	[dreg:$0x3] =	wrdreg s7  }
0xb0: {  	[dreg:$0x4] =	wrdreg $0xC0  }
0xb1: {  	_ =	task [dreg:s9], $0x5FFFF  }
0xb2: {  	[dreg:$0x1] =	wrdreg $0xFFFFFFFF  }
0xb3: {  	[dreg:$0x0] =	wrdreg $0x60  }
0xb4: {  	[dreg:$0x2] =	wrdreg s24  }
0xb5: {  	[dreg:$0x3] =	wrdreg s15  }
0xb6: {  	[dreg:$0x4] =	wrdreg s16  }
0xb7: {  	[dreg:$0x5] =	wrdreg s17  }
0xb8: {  	[dreg:$0x6] =	wrdreg $0x9  }
0xb9: {  	_ =	task.clear_ibuf [dreg:s9], $0x7FFFF;
	_ =	strace $0x90000046  }
0xba: {  	s29 =	simm.s32 $0x9;
	_ =	strace $0x80000048  }
0xbb: {  	_ =	swait.ge [sflag:s29], $0x1  }
0xbc: {  	[sflag:s29] =	ssyncadd.s32 $0xFFFFFFFF  }
0xbd: {  	_ =	strace $0x90000048  }
0xbe: {  	_ =	sfence  }
0xbf: {  	s30 =	sld [smem:$0x0];
	_ =	sdelay $0x2  }
0xc0: {  	s31 =	sshll.u32 s1, $0xD;
	s1 =	sshrl.u32 s1, $0x2  }
0xc1: {  	s3 =	sand.u32 $0x4000, s31;
	s1 =	sadd.s32 s1, s30  }
0xc2: {  	s0 =	sor.u32 s3, s0;
	s1 =	sshll.u32 s1, $0x11  }
0xc3: {  	s0 =	sor.u32 s1, s0  }
0xc4: {  	s0 =	sadd.s32 $0x8F2B, s0  }
0xc5: {  	[sflag:s0] =	ssyncadd.remote.s32 $0x1  }
0xc6: {  	_ =	sfence.sel $0xFFFF  }
0xc7: {  	[dreg:$0x0] =	wrdreg $0xFFFFFFFF;
	(pc) =	sbr.abs _section_cstart, $3  }
0xc8: {  	[dreg:$0x1] =	wrdreg $0xFFFFFFFF  }
0xc9: {  	_ =	task.clear_ibuf [dreg:s9], $0x2FFFF;
	_ =	strace $0x9FFFFFFF  }
0xca: {  	(tm) =	ssettm $0x7FFFFFFF  }
0xcb: {  	_ =	shalt  }
tec
execute0_lowered:
.L_overlay_start_1:
0x0: {  	(tag) =	ssettag $0x1  }
0x1: {  	s0 =	rddreg [dreg:$0x0]  }
0x2: {  	s1 =	rddreg [dreg:$0x2]  }
0x3: {  	s2 =	rddreg [dreg:$0x3]  }
0x4: {  	s3 =	simm.s32 $0x0;
	s4 =	srdreg.scid;
	s5 =	stileid.u32  }
0x5: {  	s13 =	simm.s32 $0x1;
	s14 =	simm.s32 $0x5080;
	s15 =	simm.s32 $0x5100  }
0x6: {  	s16 =	simm.s32 $0x1000;
	s17 =	simm.s32 $0x2000;
	s18 =	simm.s32 $0x4080  }
0x7: {  	s19 =	simm.s32 $0x3000;
	s20 =	simm.s32 $0x80;
	s21 =	simm.s32 $0x100  }
0x8: {  	s23 =	simm.s32 $0x2;
	s26 =	simm.s32 $0x0;
	[smem:$0x7FF] =	sst s3  }
0x9: {  	s6 =	sand.u32 $0x1, s4;
	s4 =	sadd.s32 $0xC00, s0;
	s8 =	sshll.u32 s5, $0x1  }
.Ltmp0:
0xa: {  	s5 =	sadd.s32 $0xA00, s0;
	_ =	strace $0x80000047;
	(pc) =	sbr.rel .LBB2_1-.Ltmp0, $4  }
0xb: {  	s7 =	ssub.s32 $0x2, s6;
	s10 =	sor.u32 s6, s8;
	s6 =	sadd.s32 $0x800, s0  }
0xc: {  	v59 =	vlaneseq.u32;
	s9 =	sshrl.u32 s7, $0x1;
	s8 =	sshll.u32 s10, $0xA;
	s31 =	sshll.u32 s10, $0x9  }
0xd: {  	v1 =	vadd.s32 $0x1, v59;
	s30 =	ssub.s32 s7, s9;
	s7 =	sshll.u32 s10, $0x7;
	s8 =	sadd.s32 s1, s8  }
0xe: {  	vm15 =	vmxor vm15, vm15;
	[tilespmem:$0x1FFF0] =	vst v1;
	s10 =	sadd.s32 s2, s31;
	s9 =	sadd.s32 $0x10, s8;
	s11 =	smax.u32 s30, $0x1  }
.LBB2_10:
0xf: {  	s0 =	simm.s32 $0x5180  }
0x10: {  	[hbm4b:s8+s20] =	stream.strided.scatter [tilespmem:s0], [sflag:$0x2], $0x1000, s21, s20, $0x38;
	[tilespmem:$0x8180] =	vst v63  }
0x11: {  	_ =	swait.ge [sflag:s23], $0x1000  }
0x12: {  	[sflag:s23] =	ssyncset.done $0x0  }
0x13: {  	s30 =	simm.s32 $0x6180;
	[sflag:s23] =	ssyncadd.s32 $0xFFFFF000  }
0x14: {  	[hbm4b:s9+s20] =	stream.strided.scatter [tilespmem:s30], [sflag:$0x2], $0x1000, s21, s20, $0x38;
	[tilespmem:$0x8180] =	vst v63  }
0x15: {  	s26 =	sadd.s32 $0x1, s26;
	_ =	swait.ge [sflag:s23], $0x1000  }
0x16: {  	p0 =	sne.s32 s26, s11;
	[sflag:s23] =	ssyncset.done $0x0  }
.Ltmp1:
0x17: {  	s31 =	simm.s32 $0x7180;
	[sflag:s23] =	ssyncadd.s32 $0xFFFFF000;
	(pc) =	sbr.rel @!p0 .LBB2_11-.Ltmp1, $4  }
0x18: {  	[hbm4b:s10+s3] =	stream.linear.scatter [tilespmem:s31], [sflag:$0x2], $0x1000, $0x38;
	[tilespmem:$0x8180] =	vst v63  }
0x19: {  	_ =	swait.ge [sflag:s23], $0x1000  }
0x1a: {  	[sflag:s23] =	ssyncset.done $0x0  }
0x1b: {  	v1 =	vld [tilespmem:$0x1FFF0];
	[sflag:s23] =	ssyncadd.s32 $0xFFFFF000  }
.LBB2_1:
0x1c: {  	[tilespmem:s3], [sflag:$0x1] =	stream.linear.gather [hbm4b:s4+s3], $0x1000, $0x38;
	[tilespmem:$0x8180] =	vst v63  }
0x1d: {  	_ = 	snop  }
0x1e: {  	[tilespmem:s16], [sflag:$0x1] =	stream.linear.gather [hbm4b:s5+s3], $0x1000, $0x38;
	[tilespmem:$0x8180] =	vst v63  }
0x1f: {  	_ = 	snop  }
0x20: {  	[tilespmem:s17], [sflag:$0x1] =	stream.linear.gather [hbm4b:s6+s3], $0x1000, $0x38;
	[tilespmem:$0x8180] =	vst v63  }
0x21: {  	s0 =	rddreg [dreg:$0x1];
	s1 =	simm.s32 $0x3010  }
0x22: {  	v0 =	vimm.s32 $0xFFFFFFFF;
	[tilespmem:s1], [sflag:$0x1] =	stream.linear.gather [hbm4b:s0+s3], $0x1000, $0x38;
	[tilespmem:$0x8180] =	vst v63  }
0x23: {  	[tilespmem:$0x3000] =	vst v0;
	v0 =	vimm.s32 $0x20  }
0x24: {  	[tilespmem:$0x4010] =	vst v0  }
0x25: {  	_ =	swait.ge [sflag:s13], $0x1000  }
0x26: {  	[sflag:s13] =	ssyncset.done $0x0  }
0x27: {  	[sflag:s13] =	ssyncadd.s32 $0xFFFFF000  }
0x28: {  	_ =	swait.ge [sflag:s13], $0x1000  }
0x29: {  	[sflag:s13] =	ssyncset.done $0x0  }
0x2a: {  	[sflag:s13] =	ssyncadd.s32 $0xFFFFF000  }
0x2b: {  	_ =	swait.ge [sflag:s13], $0x1000  }
0x2c: {  	[sflag:s13] =	ssyncset.done $0x0  }
0x2d: {  	[sflag:s13] =	ssyncadd.s32 $0xFFFFF000  }
0x2e: {  	s2 =	simm.s32 $0x1000;
	s12 =	simm.s32 $0x0;
	_ =	swait.ge [sflag:s13], $0x1000  }
0x2f: {  	s22 =	simm.s32 $0x4080;
	s24 =	simm.s32 $0x0;
	[sflag:s13] =	ssyncset.done $0x0  }
0x30: {  	s0 =	simm.s32 $0x3011;
	s1 =	simm.s32 $0x2000;
	[sflag:s13] =	ssyncadd.s32 $0xFFFFF000  }
.LBB2_2:
0x31: {  	v4 =	vld [tilespmem:s12+$0x0]  }
0x32: {  	v5 =	vld [tilespmem:s2+$0x0];
	_ =	sdelay $0x1  }
0x33: {  	v6 =	vld [tilespmem:s1+$0x0];
	_ =	sdelay $0x2  }
0x34: {  	v7 =	vmul.f32 v4, v4;
	v8 =	vmul.f32 v5, v5;
	_ =	sdelay $0x1  }
0x35: {  	v58 =	vmul.f32 v6, v6;
	v7 =	vadd.f32 v8, v7;
	_ =	sdelay $0x1  }
0x36: {  	v7 =	vadd.f32 v58, v7  }
0x37: {  	v4 =	vmul.f32 $-2.000000000e+00, v4  }
0x38: {  	v5 =	vmul.f32 $-2.000000000e+00, v5;
	[tilespmem:s22+$0x0] =	vst v7  }
0x39: {  	v60 =	vmul.f32 $-2.000000000e+00, v6;
	[tilespmem:s12+$0x0] =	vst v4  }
0x3a: {  	[tilespmem:s2+$0x0] =	vst v5  }
0x3b: {  	[tilespmem:s1+$0x0] =	vst v60  }
0x3c: {  	v4 =	vld [tilespmem:s0+$0xFFFFFFFF]  }
0x3d: {  	v5 =	vld [tilespmem:s0+$0xFFFFFFFE]  }
0x3e: {  	v61 =	vld [tilespmem:s0+$0x0];
	_ =	sdelay $0x3  }
0x3f: {  	vm0 =	vne.s32 v4, v5  }
0x40: {  	vm1 =	vne.s32 v4, v61  }
0x41: {  	p0 =	sne.s32 s24, $0xFF0  }
.Ltmp2:
0x42: {  	_ = 	snop;
	(pc) =	sbr.rel @p0 .LBB2_2-.Ltmp2, $4  }
0x43: {  	_ = 	snop  }
0x44: {  	v62 =	vor.u32 s24, v59  }
0x45: {  	v63 =	vadd.s32 s24, v1;
	s24 =	sadd.s32 $0x10, s24;
	s22 =	sadd.s32 $0x10, s22;
	s12 =	sadd.s32 $0x10, s12;
	[tilespmem:v4+s14+$0x0] =	vst.idx.msk vm0, v62  }
0x46: {  	s2 =	sadd.s32 $0x10, s2;
	s1 =	sadd.s32 $0x10, s1;
	s0 =	sadd.s32 $0x10, s0;
	[tilespmem:v4+s15+$0x0] =	vst.idx.msk vm1, v63  }
.Ltmp3:
0x47: {  	(pc) =	sbr.rel .LBB2_4-.Ltmp3, $2  }
0x48: {  	_ =	sdelay $0x2  }
0x49: {  	s28 =	simm.s32 $0x0  }
.LBB2_5:
0x4a: {  	v22 =	vimm.s32 $0x0  }
0x4b: {  	v23 =	vimm.f32 $+Inf;
	v21 =	vimm.f32 $+Inf;
	v19 =	vimm.s32 $0x0  }
0x4c: {  	v20 =	vimm.f32 $+Inf;
	v18 =	vimm.s32 $0x0;
	v17 =	vimm.f32 $+Inf  }
0x4d: {  	v16 =	vimm.s32 $0x0;
	v14 =	vimm.f32 $+Inf;
	v15 =	vimm.s32 $0x0  }
0x4e: {  	v12 =	vimm.f32 $+Inf;
	v13 =	vimm.s32 $0x0;
	v10 =	vimm.f32 $+Inf  }
0x4f: {  	v11 =	vimm.s32 $0x0;
	v8 =	vimm.f32 $+Inf;
	v9 =	vimm.s32 $0x0  }
.LBB2_9:
0x50: {  	vm6 =	vle.f32 v23, $2.500000000e+01;
	vm0 =	vgt.f32 v23, $0.0e+00;
	vm1 =	vgt.f32 v21, $0.0e+00  }
0x51: {  	vm2 =	vle.f32 v20, $2.500000000e+01;
	vm8 =	vgt.f32 v20, $0.0e+00;
	vm5 =	vmand vm6, vm0  }
0x52: {  	vm3 =	vle.f32 v17, $2.500000000e+01;
	vm0 =	vle.f32 v21, $2.500000000e+01;
	v0 =	vnsel vm5, $0x3F800000, v23  }
0x53: {  	vm7 =	vmand vm0, vm1;
	v1 =	vshra.s32 v0, $0x1;
	v0 =	vmul.f32 $5.000000000e-01, v0  }
0x54: {  	vm9 =	vgt.f32 v17, $0.0e+00;
	v3 =	vnsel vm7, $0x3F800000, v21;
	v1 =	vsub.s32 $0x5F3759DF, v1  }
0x55: {  	v4 =	vshra.s32 v3, $0x1;
	v3 =	vmul.f32 $5.000000000e-01, v3;
	v2 =	vmul.f32 v1, v0  }
0x56: {  	vm10 =	vgt.f32 v12, $0.0e+00;
	vm11 =	vgt.f32 v10, $0.0e+00;
	v4 =	vsub.s32 $0x5F3759DF, v4  }
0x57: {  	vm4 =	vmand vm2, vm8;
	v5 =	vmul.f32 v4, v3;
	v2 =	vmul.f32 v1, v2  }
0x58: {  	v52 =	vnsel vm6, $0xFFFFFFFF, v22;
	vm8 =	vgt.f32 v14, $0.0e+00;
	v53 =	vnsel vm6, $0xFFFFFFFF, v63  }
0x59: {  	v40 =	vnsel vm2, $0xFFFFFFFF, v18;
	v46 =	vmul.f32 v4, v5;
	v2 =	vsub.f32 $1.500000000e+00, v2  }
0x5a: {  	v42 =	vnsel vm2, $0xFFFFFFFF, v62;
	v45 =	vnsel vm3, $0xFFFFFFFF, v16;
	v47 =	vnsel vm4, $0x3F800000, v20  }
0x5b: {  	vm1 =	vmand vm3, vm9;
	v1 =	vmul.f32 v1, v2;
	v2 =	vsub.f32 $1.500000000e+00, v46  }
0x5c: {  	v19 =	vnsel vm0, $0xFFFFFFFF, v19;
	v6 =	vshra.s32 v47, $0x1;
	v5 =	vmul.f32 $5.000000000e-01, v47  }
0x5d: {  	v48 =	vsub.s32 $0x5F3759DF, v6;
	v0 =	vmul.f32 v1, v0;
	v2 =	vmul.f32 v4, v2  }
0x5e: {  	v57 =	vnsel vm0, $0xFFFFFFFF, v63;
	vm9 =	vle.f32 v12, $2.500000000e+01;
	v6 =	vmul.f32 v48, v5  }
0x5f: {  	v7 =	vnsel vm1, $0x3F800000, v17;
	v0 =	vmul.f32 v0, v1;
	v3 =	vmul.f32 v2, v3  }
0x60: {  	v24 =	vshra.s32 v7, $0x1;
	v7 =	vmul.f32 $5.000000000e-01, v7;
	v6 =	vmul.f32 v48, v6  }
0x61: {  	v50 =	vsub.s32 $0x5F3759DF, v24;
	v0 =	vsub.f32 $1.500000000e+00, v0;
	v3 =	vmul.f32 v3, v2  }
0x62: {  	vm0 =	vgt.f32 v8, $0.0e+00;
	v24 =	vmul.f32 v50, v7;
	v49 =	vsub.f32 $1.500000000e+00, v6  }
0x63: {  	vm10 =	vmand vm9, vm10;
	v0 =	vmul.f32 v0, v1;
	v3 =	vsub.f32 $1.500000000e+00, v3  }
0x64: {  	v63 =	vnsel vm10, $0x3F800000, v12;
	v51 =	vmul.f32 v50, v24;
	v1 =	vmul.f32 v48, v49  }
0x65: {  	v28 =	vshra.s32 v63, $0x1;
	v0 =	vmul.f32 v0, v23;
	v2 =	vmul.f32 v3, v2  }
0x66: {  	v30 =	vsub.s32 $0x5F3759DF, v28;
	v4 =	vmul.f32 v1, v5;
	v3 =	vsub.f32 $1.500000000e+00, v51  }
0x67: {  	v23 =	vmul.f32 $5.000000000e-01, v63;
	v0 =	vnsel vm5, $0x0, v0;
	v2 =	vmul.f32 v2, v21  }
0x68: {  	v4 =	vmul.f32 v4, v1;
	vm5 =	vle.f32 v14, $2.500000000e+01;
	v3 =	vmul.f32 v50, v3  }
0x69: {  	v25 =	vmul.f32 v30, v23;
	vm6 =	vmand vm5, vm8;
	v2 =	vnsel vm7, $0x0, v2  }
0x6a: {  	v4 =	vsub.f32 $1.500000000e+00, v4;
	v54 =	vnsel vm6, $0x3F800000, v14;
	v7 =	vmul.f32 v3, v7  }
0x6b: {  	vm7 =	vle.f32 v10, $2.500000000e+01;
	v32 =	vmul.f32 v30, v25;
	v55 =	vshra.s32 v54, $0x1  }
0x6c: {  	v6 =	vmul.f32 $5.000000000e-01, v54;
	vm8 =	vmand vm7, vm11;
	vm11 =	vle.f32 v8, $2.500000000e+01  }
0x6d: {  	v1 =	vmul.f32 v4, v1;
	v56 =	vsub.s32 $0x5F3759DF, v55;
	v7 =	vmul.f32 v7, v3  }
0x6e: {  	s0 =	sshll.u32 s28, $0x7;
	v31 =	vnsel vm8, $0x3F800000, v10;
	vm12 =	vmand vm11, vm0;
	v58 =	vmul.f32 v56, v6  }
0x6f: {  	[tilespmem:s0+$0x5180] =	vst v52;
	v36 =	vsub.f32 $1.500000000e+00, v32;
	v26 =	vshra.s32 v31, $0x1;
	v24 =	vmul.f32 $5.000000000e-01, v31  }
0x70: {  	[tilespmem:s0+$0x6180] =	vst v53;
	v35 =	vnsel vm12, $0x3F800000, v8;
	v1 =	vmul.f32 v1, v20;
	v60 =	vmul.f32 v56, v58  }
0x71: {  	[tilespmem:s0+$0x51A0] =	vst v40;
	v33 =	vsub.s32 $0x5F3759DF, v26;
	v37 =	vshra.s32 v35, $0x1;
	v21 =	vmul.f32 $5.000000000e-01, v35  }
0x72: {  	[tilespmem:s0+$0x61A0] =	vst v42;
	v34 =	vmul.f32 v33, v24;
	v5 =	vsub.s32 $0x5F3759DF, v37;
	v20 =	vsub.f32 $1.500000000e+00, v60  }
0x73: {  	[tilespmem:s0+$0x7180] =	vst v0;
	v7 =	vsub.f32 $1.500000000e+00, v7;
	v0 =	vmul.f32 v30, v36;
	v39 =	vmul.f32 v5, v21  }
0x74: {  	[tilespmem:s0+$0x51B0] =	vst v45;
	v38 =	vmul.f32 v33, v34;
	v4 =	vmul.f32 v56, v20  }
0x75: {  	[tilespmem:s0+$0x5190] =	vst v19;
	v3 =	vmul.f32 v7, v3;
	v7 =	vmul.f32 v5, v39  }
0x76: {  	[tilespmem:s0+$0x6190] =	vst v57;
	v53 =	vnsel vm9, $0xFFFFFFFF, v13;
	v41 =	vsub.f32 $1.500000000e+00, v38;
	v6 =	vmul.f32 v4, v6  }
0x77: {  	[tilespmem:s0+$0x51D0] =	vst v53;
	v46 =	vnsel vm3, $0xFFFFFFFF, v62;
	v43 =	vmul.f32 v0, v23;
	v7 =	vsub.f32 $1.500000000e+00, v7  }
0x78: {  	[tilespmem:s0+$0x61B0] =	vst v46;
	v44 =	vmul.f32 v33, v41;
	v6 =	vmul.f32 v6, v4  }
0x79: {  	v49 =	vnsel vm5, $0xFFFFFFFF, v15;
	[tilespmem:s0+$0x7190] =	vst v2;
	v2 =	vmul.f32 v43, v0;
	v5 =	vmul.f32 v5, v7  }
0x7a: {  	v50 =	vnsel vm5, $0xFFFFFFFF, v61;
	[tilespmem:s0+$0x51C0] =	vst v49;
	v48 =	vmul.f32 v44, v24;
	v6 =	vsub.f32 $1.500000000e+00, v6  }
0x7b: {  	[tilespmem:s0+$0x61C0] =	vst v50;
	v54 =	vnsel vm9, $0xFFFFFFFF, v61;
	v2 =	vsub.f32 $1.500000000e+00, v2;
	v51 =	vmul.f32 v5, v21  }
0x7c: {  	v57 =	vnsel vm7, $0xFFFFFFFF, v11;
	[tilespmem:s0+$0x61D0] =	vst v54;
	v47 =	vmul.f32 v6, v4;
	v4 =	vmul.f32 v48, v44  }
0x7d: {  	[tilespmem:s0+$0x51E0] =	vst v57;
	v62 =	vnsel vm11, $0xFFFFFFFF, v9;
	v0 =	vmul.f32 v2, v0;
	v2 =	vmul.f32 v51, v5  }
0x7e: {  	v63 =	vnsel vm11, $0xFFFFFFFF, v29;
	[tilespmem:s0+$0x51F0] =	vst v62;
	v52 =	vsub.f32 $1.500000000e+00, v4  }
0x7f: {  	[tilespmem:s0+$0x61F0] =	vst v63;
	v58 =	vnsel vm7, $0xFFFFFFFF, v29;
	v3 =	vmul.f32 v3, v17;
	v2 =	vsub.f32 $1.500000000e+00, v2  }
0x80: {  	s28 =	sadd.s32 $0x1, s28;
	v1 =	vnsel vm4, $0x0, v1;
	[tilespmem:s0+$0x61E0] =	vst v58;
	v0 =	vmul.f32 v0, v12;
	v55 =	vmul.f32 v52, v44  }
0x81: {  	p0 =	sne.s32 s28, $0x20;
	[tilespmem:s0+$0x71A0] =	vst v1;
	v3 =	vnsel vm1, $0x0, v3;
	v1 =	vmul.f32 v47, v14;
	v60 =	vmul.f32 v2, v5  }
.Ltmp4:
0x82: {  	[tilespmem:s0+$0x71B0] =	vst v3;
	v0 =	vnsel vm10, $0x0, v0;
	v56 =	vmul.f32 v55, v10;
	(pc) =	sbr.rel @!p0 .LBB2_10-.Ltmp4, $4  }
0x83: {  	[tilespmem:s0+$0x71D0] =	vst v0;
	v1 =	vnsel vm6, $0x0, v1;
	v61 =	vmul.f32 v60, v8  }
0x84: {  	[tilespmem:s0+$0x71C0] =	vst v1;
	v0 =	vnsel vm8, $0x0, v56  }
0x85: {  	[tilespmem:s0+$0x71E0] =	vst v0;
	v0 =	vnsel vm12, $0x0, v61  }
0x86: {  	[tilespmem:s0+$0x71F0] =	vst v0  }
.LBB2_4:
0x87: {  	s0 =	sshll.u32 s28, $0x2  }
0x88: {  	s0 =	sadd.s32 s7, s0  }
0x89: {  	v63 =	vmov s0;
	s1 =	sor.u32 $0x3, s0  }
0x8a: {  	v5 =	vadd.s32 $0x10, v63;
	v29 =	vmov s1  }
0x8b: {  	v6 =	vadd.s32 $0x10, v29;
	_ =	sdelay $0x3  }
0x8c: {  	v1 =	vld.idx.msk [tilespmem:v5+s19+$0x0], $0xffff  }
0x8d: {  	v0 =	vld.idx.msk [tilespmem:v6+s19+$0x0], $0xffff;
	_ =	sdelay $0x6  }
0x8e: {  	v5 =	vld.idx.msk [tilespmem:v1+s14+$0x0], $0xffff  }
0x8f: {  	v6 =	vld.idx.msk [tilespmem:v0+s15+$0x0], $0xffff;
	_ =	sdelay $0x3  }
0x90: {  	v5 =	vxor.u32 $0x80000000, v5  }
0x91: {  	(xrf0) =	vmax.scan.msk.u32 $0xffff, v5;
	v51 =	vxor.u32 $0x80000000, v6  }
0x92: {  	(xrf0) =	vmax.scan.msk.u32 $0xffff, v51;
	_ =	sdelay $0x4  }
0x93: {  	v52, _, _ =	vpop (xrf0)  }
0x94: {  	(v2sf) =	vpush v52, $0xF;
	v53, _, _ =	vpop (xrf0)  }
0x95: {  	(v2sf) =	vpush v53, $0xF;
	_ =	sdelay $0xd  }
0x96: {  	s2 =	sor.u32 $0x1, s0;
	s22 =	sor.u32 $0x2, s0;
	s30 =	spop (v2sf)  }
0x97: {  	v61 =	vmov s22;
	s22 =	simm.s32 $0x1;
	s12 =	sxor.u32 $0x80000000, s30;
	s31 =	spop (v2sf)  }
0x98: {  	p1 =	sgt.s32 s30, $0xFFFFFFFF;
	s1 =	sand.u32 $0xF, s30;
	s24 =	sshra.s32 s12, $0x1F  }
0x99: {  	p0 =	slt.s32 s12, $0x1;
	p3 =	sne.s32 s1, $0x0;
	s31 =	sadd.s32 $0x8000000F, s31  }
0x9a: {  	s1 =	simm.s32 $0x1;
	s25 =	sshrl.u32 s24, $0x1C;
	p0 =	por p1, p0  }
0x9b: {  	s24 =	sshra.s32 s31, $0x1F;
	s30 =	sadd.s32 s25, s12;
	s12 =	sand.u32 $0xF, s31  }
0x9c: {  	v62 =	vmov s2;
	p4 =	slt.s32 s31, $0x1;
	p0 =	por !p3, !p0;
	p2 =	sne.s32 s12, $0x0  }
0x9d: {  	v16 =	vld.idx.msk [tilespmem:v63+s3+$0x0], $0xffff;
	s0 =	sshra.s32 s30, $0x4;
	s12 =	sshrl.u32 s24, $0x1C;
	p1 =	por !p4, !p2  }
0x9e: {  	v17 =	vld.idx.msk [tilespmem:v63+s16+$0x0], $0xffff;
	p0 =	por !p0, !p0;
	s2 =	sadd.s32 s12, s31;
	p1 =	por !p1, !p1  }
0x9f: {  	v18 =	vld.idx.msk [tilespmem:v63+s17+$0x0], $0xffff;
	s1 =	simm.s32 @!p0 $0x0;
	s2 =	sshra.s32 s2, $0x4;
	s22 =	simm.s32 @!p1 $0x0  }
0xa0: {  	v54 =	vld.idx.msk [tilespmem:v63+s18+$0x0], $0xffff;
	s12 =	ssub.s32 s0, s1;
	s29 =	ssub.s32 s2, s22  }
0xa1: {  	v19 =	vld.idx.msk [tilespmem:v62+s3+$0x0], $0xffff;
	s1 =	ssub.s32 s29, s12  }
0xa2: {  	v20 =	vld.idx.msk [tilespmem:v62+s16+$0x0], $0xffff;
	s25 =	sadd.s32 $0x1, s1  }
0xa3: {  	v12 =	vadd.s32 $0x10, v62;
	v21 =	vld.idx.msk [tilespmem:v62+s17+$0x0], $0xffff;
	s30 =	sand.u32 $0x1, s25  }
0xa4: {  	v14 =	vadd.s32 $0x10, v61;
	v55 =	vld.idx.msk [tilespmem:v62+s18+$0x0], $0xffff;
	p5 =	slt.s32 s1, $0x0;
	p6 =	seq.s32 s30, $0x1  }
0xa5: {  	v57 =	vld.idx.msk [tilespmem:v61+s18+$0x0], $0xffff;
	s31 =	sshrl.u32 s25, $0x1F;
	p1 =	por !p5, !p6  }
0xa6: {  	v60 =	vld.idx.msk [tilespmem:v29+s18+$0x0], $0xffff;
	s2 =	simm.s32 $0x1;
	s1 =	sadd.s32 s31, s25;
	p1 =	por !p1, !p1  }
0xa7: {  	v22 =	vld.idx.msk [tilespmem:v61+s3+$0x0], $0xffff;
	[tilespmem:$0x1FF90] =	vst v54;
	s1 =	sshra.s32 s1, $0x1;
	s2 =	simm.s32 @!p1 $0x0  }
0xa8: {  	v56 =	vld.idx.msk [tilespmem:v12+s19+$0x0], $0xffff;
	[tilespmem:$0x1FF70] =	vst v1;
	s22 =	ssub.s32 s1, s2  }
0xa9: {  	v58 =	vld.idx.msk [tilespmem:v14+s19+$0x0], $0xffff;
	[tilespmem:$0x1FFA0] =	vst v55;
	p1 =	slt.s32 s22, $0x1  }
.Ltmp5:
0xaa: {  	v23 =	vld.idx.msk [tilespmem:v61+s16+$0x0], $0xffff;
	[tilespmem:$0x1FFC0] =	vst v57;
	(pc) =	sbr.rel @p1 .LBB2_5-.Ltmp5, $4  }
0xab: {  	v24 =	vld.idx.msk [tilespmem:v61+s17+$0x0], $0xffff;
	[tilespmem:$0x1FFE0] =	vst v60  }
0xac: {  	v25 =	vld.idx.msk [tilespmem:v29+s3+$0x0], $0xffff;
	[tilespmem:$0x1FF80] =	vst v0  }
0xad: {  	v27 =	vld.idx.msk [tilespmem:v29+s16+$0x0], $0xffff;
	[tilespmem:$0x1FFB0] =	vst v56  }
0xae: {  	v28 =	vld.idx.msk [tilespmem:v29+s17+$0x0], $0xffff;
	[tilespmem:$0x1FFD0] =	vst v58  }
0xaf: {  	v0 =	vld [tilespmem:$0x1FF70]  }
0xb0: {  	v7 =	vmul.f32 $-5.000000000e-01, v16;
	v8 =	vmul.f32 $-5.000000000e-01, v17;
	v1 =	vld [tilespmem:$0x1FF90]  }
0xb1: {  	s1 =	simm.s32 $0xFFFFFFFF;
	s2 =	sshll.u32 s12, $0x6;
	v9 =	vmul.f32 $-5.000000000e-01, v18;
	v10 =	vmul.f32 $-5.000000000e-01, v19;
	v3 =	vld [tilespmem:$0x1FFB0]  }
0xb2: {  	v11 =	vmul.f32 $-5.000000000e-01, v20;
	v12 =	vmul.f32 $-5.000000000e-01, v21;
	v5 =	vld [tilespmem:$0x1FFD0];
	s1 =	simm.s32 @!p0 $0x0;
	s30 =	sshra.s32 s2, $0x2  }
0xb3: {  	v13 =	vmul.f32 $-5.000000000e-01, v22;
	v14 =	vmul.f32 $-5.000000000e-01, v23;
	v31 =	vimm.f32 $+Inf;
	s1 =	sadd.s32 s1, s0;
	v36 =	vld [tilespmem:s30+$0x0]  }
0xb4: {  	s24 =	sshll.u32 s12, $0x4;
	v30 =	vimm.s32 $0x0;
	v2 =	vld [tilespmem:$0x1FFA0];
	vm6 =	vmmov vm15;
	v15 =	vmul.f32 $-5.000000000e-01, v24;
	s31 =	sadd.s32 $0x3010, s30;
	s2 =	sadd.s32 $0x1, s1  }
0xb5: {  	s0 =	sadd.s32 $0x4080, s30;
	v16 =	vmul.f32 $-5.000000000e-01, v25;
	v25 =	vor.u32 s24, v59;
	v33 =	vld [tilespmem:s31+$0x0];
	v17 =	vmul.f32 $-5.000000000e-01, v27;
	p0 =	slt.s32 s2, $0xFF;
	s25 =	smov.u32 s2  }
0xb6: {  	s12 =	sadd.s32 $0x1000, s30;
	v34 =	vld [tilespmem:s0+$0x0];
	vm7 =	vne.s32 v25, v63;
	vm8 =	vne.s32 v25, v62;
	vm4 =	vne.s32 v25, v61;
	s25 =	simm.s32 @!p0 $0xFF;
	p0 =	slt.s32 s2, s29  }
0xb7: {  	v37 =	vld [tilespmem:s12+$0x0];
	vm5 =	vne.s32 v25, v29;
	v22 =	vmul.f32 $-5.000000000e-01, v28;
	s25 =	sshll.u32 s25, $0x4;
	vm6 =	vmneg @p0 vm6  }
0xb8: {  	v4 =	vld [tilespmem:$0x1FFC0];
	s1 =	sadd.s32 $0x2000, s30;
	v28 =	vor.u32 s25, v59;
	v41 =	vmul.f32 v36, v7;
	v44 =	vmul.f32 v36, v10  }
0xb9: {  	v35 =	vld [tilespmem:s1+$0x0];
	v48 =	vmul.f32 v36, v13;
	v36 =	vmul.f32 v36, v16;
	vm3 =	vne.s32 v28, v63  }
0xba: {  	v6 =	vld [tilespmem:$0x1FFE0];
	vm0 =	vne.s32 v28, v62;
	vm9 =	veq.s32 v33, v0;
	vm1 =	vne.s32 v28, v61  }
0xbb: {  	vm2 =	vne.s32 v28, v29;
	v38 =	vadd.f32 v34, v1;
	vm11 =	veq.s32 v33, v3  }
0xbc: {  	v32 =	vld [tilespmem:s25+$0x3010];
	vm10 =	veq.s32 v33, v5;
	v42 =	vmul.f32 v37, v8;
	v45 =	vmul.f32 v37, v11  }
0xbd: {  	v46 =	vld [tilespmem:s25+$0x4080];
	v43 =	vadd.f32 v34, v2;
	v49 =	vmul.f32 v37, v14;
	v37 =	vmul.f32 v37, v17  }
0xbe: {  	v50 =	vld [tilespmem:s25+$0x2000];
	v47 =	vadd.f32 v34, v4;
	v39 =	vmul.f32 v35, v9;
	v40 =	vmul.f32 v35, v12  }
0xbf: {  	v51 =	vld [tilespmem:s25+$0x0];
	v34 =	vadd.f32 v34, v6;
	v52 =	vmul.f32 v35, v15;
	v35 =	vmul.f32 v35, v22  }
0xc0: {  	v23 =	vld [tilespmem:s25+$0x1000];
	vm9 =	vmand vm7, vm9;
	vm7 =	vmand vm8, vm11;
	v41 =	vadd.f32 v42, v41  }
0xc1: {  	vm4 =	vmand vm4, vm10;
	v42 =	vadd.f32 v45, v44;
	v60 =	vadd.f32 v49, v48  }
0xc2: {  	v36 =	vadd.f32 v37, v36;
	v45 =	vimm.f32 $+Inf;
	vm13 =	veq.s32 v32, v0  }
0xc3: {  	v1 =	vadd.f32 v46, v1;
	v2 =	vadd.f32 v46, v2;
	v19 =	vmul.f32 v50, v9  }
0xc4: {  	vm14 =	veq.s32 v32, v3;
	v54 =	vmul.f32 v50, v12;
	v55 =	vmul.f32 v51, v7  }
0xc5: {  	v53 =	vadd.f32 v46, v4;
	v56 =	vmul.f32 v23, v8;
	v57 =	vmul.f32 v50, v15  }
0xc6: {  	vm12 =	veq.s32 v32, v5;
	v50 =	vmul.f32 v50, v22;
	v20 =	vmul.f32 v51, v10  }
0xc7: {  	v48 =	vadd.f32 v46, v6;
	v21 =	vmul.f32 v23, v11;
	v58 =	vmul.f32 v51, v13  }
0xc8: {  	[tilespmem:$0x1FEF0] =	vst v22;
	v39 =	vadd.f32 v39, v41;
	v22 =	vmul.f32 v23, v14;
	v51 =	vmul.f32 v51, v16  }
0xc9: {  	[tilespmem:$0x1FF60] =	vst v29;
	v23 =	vmul.f32 v23, v17;
	v40 =	vadd.f32 v40, v42;
	v35 =	vadd.f32 v35, v36  }
0xca: {  	[tilespmem:$0x1FEA0] =	vst v9;
	v36 =	vimm.s32 $0x0;
	vm3 =	vmand vm3, vm13;
	vm0 =	vmand vm0, vm14  }
0xcb: {  	[tilespmem:$0x1FEB0] =	vst v12;
	vm1 =	vmand vm1, vm12;
	v55 =	vadd.f32 v56, v55;
	v38 =	vadd.f32 v38, v39  }
0xcc: {  	[tilespmem:$0x1FEC0] =	vst v7;
	v41 =	vadd.f32 v21, v20;
	vm3 =	vmand vm6, vm3;
	v40 =	vadd.f32 v43, v40  }
0xcd: {  	[tilespmem:$0x1FED0] =	vst v8;
	vm0 =	vmand vm6, vm0;
	v39 =	vadd.f32 v23, v51;
	v49 =	vadd.f32 v34, v35  }
0xce: {  	[tilespmem:$0x1FF00] =	vst v10;
	v34 =	vimm.s32 $0x0;
	v35 =	vimm.f32 $+Inf;
	v46 =	vadd.f32 v19, v55  }
0xcf: {  	[tilespmem:$0x1FF10] =	vst v11;
	v38 =	vmax.f32 v38, $0.0e+00;
	v41 =	vadd.f32 v54, v41;
	v54 =	vadd.f32 v52, v60  }
0xd0: {  	[tilespmem:$0x1FF20] =	vst v13;
	v40 =	vmax.f32 v40, $0.0e+00;
	v51 =	vadd.f32 v50, v39;
	v39 =	vimm.s32 $0x0  }
0xd1: {  	[tilespmem:$0x1FF30] =	vst v14;
	v38 =	vnsel vm9, $0x7F800000, v38;
	v37 =	vadd.f32 v1, v46;
	v46 =	vadd.f32 v22, v58  }
0xd2: {  	s22 =	ssub.s32 $0x0, s22;
	[tilespmem:$0x1FEE0] =	vst v15;
	v40 =	vnsel vm7, $0x7F800000, v40;
	v41 =	vadd.f32 v2, v41;
	v43 =	vadd.f32 v47, v54  }
0xd3: {  	s22 =	sadd.s32 $0x1, s22;
	(xrf1) =	vsort.ascd.msk.f32 $0xffff, v38, v25;
	v38 =	vimm.s32 $0x0;
	v47 =	vimm.f32 $+Inf;
	v42 =	vadd.f32 v57, v46  }
0xd4: {  	[tilespmem:$0x1FF40] =	vst v16;
	p0 =	seq.s32 s22, $0x0;
	v60 =	vld [tilespmem:$0x1FF80];
	v37 =	vmax.f32 v37, $0.0e+00;
	v41 =	vmax.f32 v41, $0.0e+00;
	v57 =	vmax.f32 v43, $0.0e+00  }
.Ltmp6:
0xd5: {  	[tilespmem:$0x1FF50] =	vst v17;
	v46 =	vimm.s32 $0x0;
	v37 =	vnsel vm3, $0x7F800000, v37;
	v56 =	vadd.f32 v53, v42;
	(pc) =	sbr.rel @p0 .LBB2_8-.Ltmp6, $4  }
0xd6: {  	v43 =	vimm.s32 $0x0;
	v55 =	vnsel vm0, $0x7F800000, v41;
	vm0 =	vmand vm6, vm1;
	(xrf1) =	vsort.dscd.msk.f32 $0xffff, v37, v28  }
0xd7: {  	v58 =	vnsel vm4, $0x7F800000, v57;
	v42 =	vimm.f32 $+Inf;
	(xrf1) =	vsort.ascd.msk.f32 $0xffff, v40, v25;
	v41 =	vmax.f32 v56, $0.0e+00  }
0xd8: {  	v37 =	vimm.f32 $+Inf;
	v40 =	vimm.f32 $+Inf;
	(xrf1) =	vsort.dscd.msk.f32 $0xffff, v55, v28;
	v50 =	vnsel vm0, $0x7F800000, v41  }
0xd9: {  	s24 =	sadd.s32 $0x20, s24;
	vm0 =	veq.s32 v33, v60;
	v41 =	vimm.f32 $+Inf;
	(xrf1) =	vsort.ascd.msk.f32 $0xffff, v58, v25;
	v33 =	vimm.s32 $0x0  }
.LBB2_7:
0xda: {  	v53 =	vld [tilespmem:$0x1FF80]  }
0xdb: {  	v8 =	vld [tilespmem:$0x1FF70]  }
0xdc: {  	v9 =	vld [tilespmem:$0x1FF90]  }
0xdd: {  	v11 =	vld [tilespmem:$0x1FFB0]  }
0xde: {  	v18 =	vld [tilespmem:$0x1FFD0]  }
0xdf: {  	s31 =	sadd.s32 $0x20, s31;
	v12 =	vld [tilespmem:$0x1FFC0]  }
0xe0: {  	s0 =	sadd.s32 $0x20, s0;
	v44 =	vld [tilespmem:s31+$0x0]  }
0xe1: {  	v52 =	vor.u32 s24, v59;
	v5 =	vld [tilespmem:s0+$0x0]  }
0xe2: {  	vm0 =	vmand vm5, vm0;
	v0 =	vimm.s32 $0x0;
	v20 =	vimm.s32 $0x0;
	v19 =	vld [tilespmem:$0x1FFE0]  }
0xe3: {  	s2 =	sadd.s32 $0x2, s2;
	(xrf1) =	vsort.dscd.msk.f32 $0xffff, v50, v28;
	s30 =	sadd.s32 $0x20, s30;
	v27 =	vld [tilespmem:$0x1FF20];
	v48 =	vadd.f32 v48, v51;
	v4 =	vmax.f32 v49, $0.0e+00;
	vm1 =	veq.s32 v32, v53  }
0xe4: {  	v21 =	vimm.s32 $0x0;
	p0 =	slt.s32 s2, $0xFF;
	s25 =	smov.u32 s2;
	v57 =	vld [tilespmem:s30+$0x0];
	v32 =	vnsel vm0, $0x7F800000, v4;
	vm1 =	vmand vm2, vm1  }
0xe5: {  	vm8 =	vne.s32 v52, v63;
	s25 =	simm.s32 @!p0 $0xFF;
	v48 =	vmax.f32 v48, $0.0e+00;
	(xrf1) =	vsort.ascd.msk.f32 $0xffff, v32, v25;
	vm0 =	vmand vm6, vm1  }
0xe6: {  	v10 =	vld [tilespmem:$0x1FFA0];
	s25 =	sshll.u32 s25, $0x4;
	v25 =	vmovc v52;
	vm11 =	veq.s32 v44, v8;
	v52 =	vadd.f32 v5, v9;
	v48 =	vnsel vm0, $0x7F800000, v48  }
0xe7: {  	v26 =	vld [tilespmem:$0x1FEB0];
	vm12 =	veq.s32 v44, v11;
	vm10 =	veq.s32 v44, v18;
	(xrf1) =	vsort.dscd.msk.f32 $0xffff, v48, v28;
	v28 =	vor.u32 s25, v59  }
0xe8: {  	s1 =	sadd.s32 $0x20, s1;
	v15 =	vld [tilespmem:$0x1FEE0];
	v60 =	vadd.f32 v5, v12;
	v4 =	vadd.f32 v5, v19;
	vm0 =	vne.s32 v28, v63  }
0xe9: {  	v32 =	vld [tilespmem:s1+$0x0];
	v3 =	vmul.f32 v57, v27;
	v23, v22, _ =	vpop (xrf1);
	v0 =	vsel vm0, $0xFFFFFFFF, v0;
	vm0 =	vne.s32 v28, v62  }
0xea: {  	v16 =	vld [tilespmem:$0x1FEF0];
	vm9 =	vne.s32 v25, v62;
	v54, v55, _ =	vpop (xrf1);
	[tilespmem:$0x1FE40] =	vst v0;
	v0 =	vsel vm0, $0xFFFFFFFF, v20;
	vm0 =	vne.s32 v28, v61  }
0xeb: {  	v24 =	vld [tilespmem:$0x1FF10];
	v59 =	vadd.f32 v5, v10;
	[tilespmem:$0x1FE50] =	vst v0;
	v0 =	vsel vm0, $0xFFFFFFFF, v21;
	vm0 =	vlt.f32 v23, v54  }
0xec: {  	s12 =	sadd.s32 $0x20, s12;
	vm7 =	vne.s32 v25, v61;
	[tilespmem:$0x1FE80] =	vst v60;
	v5 =	vsel vm0, v22, v55;
	v51 =	vsel vm0, v55, v22;
	v22 =	vld [tilespmem:$0x1FEA0]  }
0xed: {  	vm5 =	vne.s32 v25, v29;
	vm2 =	vne.s32 v28, v29;
	[tilespmem:$0x1FE60] =	vst v59;
	v59 =	vld [tilespmem:s12+$0x0];
	v58, v60, _ =	vpop (xrf1);
	v56 =	vsel vm0, v23, v54  }
0xee: {  	v6, v7, _ =	vpop (xrf1);
	v20 =	vld [tilespmem:$0x1FEC0];
	v1 =	vsel vm0, v54, v23;
	v55 =	vmul.f32 v32, v26;
	(xrf1) =	vsort.dscd.msk.f32 $0xffff, v56, v5  }
0xef: {  	v21 =	vld [tilespmem:$0x1FED0];
	v54 =	vmul.f32 v32, v15;
	vm0 =	vlt.f32 v58, v6;
	(xrf1) =	vsort.dscd.msk.f32 $0xffff, v1, v51  }
0xf0: {  	[tilespmem:$0x1FE90] =	vst v4;
	v23 =	vld [tilespmem:$0x1FF00];
	v4 =	vsel vm0, v60, v7;
	v48 =	vsel vm0, v6, v58;
	v51 =	vmul.f32 v32, v16;
	v5, v2, _ =	vpop (xrf1)  }
0xf1: {  	v29 =	vld [tilespmem:$0x1FF30];
	v56 =	vmul.f32 v32, v22;
	v32 =	vsel vm0, v58, v6;
	v6 =	vsel vm0, v7, v60;
	v7, v60, _ =	vpop (xrf1)  }
0xf2: {  	v49 =	vmovc v63;
	v63 =	vmul.f32 v59, v24;
	v1 =	vld [tilespmem:s25+$0x4080];
	(xrf1) =	vsort.dscd.msk.f32 $0xffff, v32, v4;
	vm0 =	vlt.f32 v5, v7  }
0xf3: {  	v50 =	vmovc v61;
	v32 =	vld [tilespmem:s25+$0x3010];
	(xrf1) =	vsort.dscd.msk.f32 $0xffff, v48, v6;
	v13 =	vsel vm0, v5, v7;
	v14 =	vsel vm0, v2, v60  }
0xf4: {  	v17 =	vmovc v62;
	v62 =	vmul.f32 v57, v20;
	v61 =	vmul.f32 v59, v21;
	(xrf1) =	vsort.dscd.msk.f32 $0xffff, v13, v14;
	v14 =	vld [tilespmem:$0x1FF50]  }
0xf5: {  	v48 =	vmul.f32 v57, v23;
	v5 =	vsel vm0, v7, v5;
	v4 =	vsel vm0, v60, v2;
	v58, v60, _ =	vpop (xrf1)  }
0xf6: {  	[tilespmem:$0x1FE70] =	vst v0;
	v62 =	vadd.f32 v61, v62;
	v13 =	vld [tilespmem:$0x1FF40];
	(xrf1) =	vsort.dscd.msk.f32 $0xffff, v5, v4;
	v0, v2, _ =	vpop (xrf1);
	v4 =	vmul.f32 v59, v29  }
0xf7: {  	v7 =	vld [tilespmem:s25+$0x2000];
	v61 =	vadd.f32 v63, v48;
	v48 =	vadd.f32 v1, v19;
	vm0 =	vlt.f32 v58, v0  }
0xf8: {  	v6 =	vsel vm0, v60, v2;
	v2 =	vsel vm0, v2, v60;
	vm14 =	veq.s32 v32, v8  }
0xf9: {  	v60 =	vadd.f32 v1, v10;
	v5 =	vmul.f32 v59, v14;
	v59 =	vsel vm0, v58, v0  }
0xfa: {  	vm15 =	veq.s32 v32, v11;
	v0 =	vsel vm0, v0, v58;
	(xrf1) =	vsort.dscd.msk.f32 $0xffff, v59, v6;
	v6 =	vld [tilespmem:s25+$0x0]  }
0xfb: {  	vm13 =	veq.s32 v32, v18;
	v57 =	vmul.f32 v57, v13;
	(xrf1) =	vsort.dscd.msk.f32 $0xffff, v0, v2;
	v0 =	vld [tilespmem:s25+$0x1000]  }
0xfc: {  	v63 =	vmul.f32 v7, v22;
	v8 =	vmul.f32 v7, v26;
	v59 =	vadd.f32 v4, v3;
	v3, v4, _ =	vpop (xrf1)  }
0xfd: {  	v58 =	vadd.f32 v1, v12;
	v57 =	vadd.f32 v5, v57;
	v19, v18, _ =	vpop (xrf1);
	vm3 =	vlt.f32 v42, v3  }
0xfe: {  	v2 =	vadd.f32 v1, v9;
	vm1 =	vlt.f32 v31, v19;
	v3 =	vsel vm3, v42, v3  }
0xff: {  	v4 =	vsel vm3, v38, v4;
	v1 =	vsel vm1, v31, v19;
	v5 =	vsel vm1, v30, v18  }
0x100: {  	v31 =	vmul.f32 v6, v20;
	vm0 =	vlt.f32 v1, v3;
	v42 =	vmul.f32 v0, v21;
	v9, v10, _ =	vpop (xrf1)  }
0x101: {  	v19 =	vsel vm0, v3, v1;
	v12 =	vsel vm0, v4, v5;
	v1 =	vsel vm0, v1, v3;
	v22, v21, _ =	vpop (xrf1)  }
0x102: {  	vm3 =	vlt.f32 v41, v9;
	(xrf1) =	vsort.ascd.msk.f32 $0xffff, v19, v12;
	vm1 =	vlt.f32 v47, v22  }
0x103: {  	v9 =	vsel vm3, v41, v9;
	v18, v30, _ =	vpop (xrf1);
	v10 =	vsel vm3, v39, v10;
	v38 =	vsel vm1, v47, v22  }
0x104: {  	v11 =	vsel vm1, v46, v21;
	vm4 =	vlt.f32 v40, v18;
	vm1 =	vlt.f32 v38, v9  }
0x105: {  	v20, v19, _ =	vpop (xrf1);
	v12 =	vsel vm4, v40, v18;
	v30 =	vsel vm4, v34, v30;
	v34 =	vmul.f32 v6, v27  }
0x106: {  	v21 =	vsel vm1, v9, v38;
	vm6 =	vlt.f32 v45, v20;
	v22 =	vsel vm1, v10, v11  }
0x107: {  	v9 =	vsel vm1, v38, v9;
	v10 =	vsel vm1, v11, v10;
	v39 =	vsel vm6, v45, v20  }
0x108: {  	(xrf1) =	vsort.ascd.msk.f32 $0xffff, v21, v22;
	v41 =	vsel vm6, v43, v19;
	vm3 =	vlt.f32 v39, v12;
	v18, v40, _ =	vpop (xrf1)  }
0x109: {  	v19 =	vsel vm3, v12, v39;
	v22 =	vsel vm3, v30, v41;
	v12 =	vsel vm3, v39, v12;
	v21, v20, _ =	vpop (xrf1)  }
0x10a: {  	v47 =	vsel vm3, v41, v30;
	vm6 =	vlt.f32 v35, v18;
	vm4 =	vlt.f32 v37, v21  }
0x10b: {  	(xrf1) =	vsort.ascd.msk.f32 $0xffff, v19, v22;
	v35 =	vsel vm6, v35, v18;
	v37 =	vsel vm4, v37, v21  }
0x10c: {  	v33 =	vsel vm6, v33, v40;
	v43 =	vsel vm4, v36, v20;
	vm4 =	vlt.f32 v37, v35  }
0x10d: {  	v45 =	vsel vm4, v37, v35;
	v35 =	vsel vm4, v35, v37;
	v46 =	vsel vm4, v33, v43  }
0x10e: {  	v41 =	vld [tilespmem:$0x1FE50];
	v19 =	vmul.f32 v7, v15;
	v33 =	vsel vm4, v43, v33;
	(xrf1) =	vsort.ascd.msk.f32 $0xffff, v35, v46  }
0x10f: {  	vm1 =	vmand vm8, vm11;
	v22 =	vmul.f32 v6, v23;
	v23 =	vadd.f32 v56, v62;
	(xrf1) =	vsort.ascd.msk.f32 $0xffff, v45, v33  }
0x110: {  	vm8 =	vmand vm9, vm12;
	v6 =	vmul.f32 v6, v13;
	v56 =	vadd.f32 v51, v57;
	v40 =	vld [tilespmem:$0x1FE40];
	(xrf1) =	vsort.ascd.msk.f32 $0xffff, v12, v47  }
0x111: {  	p0 =	slt.s32 s2, s29;
	vm6 =	vmxor vm6, vm6;
	v18 =	vsel vm0, v5, v4;
	v21 =	vadd.f32 v42, v31;
	(xrf1) =	vsort.ascd.msk.f32 $0xffff, v9, v10  }
0x112: {  	vm0 =	vmand vm7, vm10;
	vm6 =	vmneg @p0 vm6;
	v20 =	vmul.f32 v7, v16;
	(xrf1) =	vsort.ascd.msk.f32 $0xffff, v1, v18  }
0x113: {  	v7 =	vadd.f32 v63, v21;
	vm4 =	vnez.u8 v41;
	v43 =	vadd.f32 v55, v61  }
0x114: {  	v63 =	vmovc v49;
	v49 =	vadd.f32 v54, v59;
	v59 =	vlaneseq.u32;
	v35 =	vmul.f32 v0, v29  }
0x115: {  	vm4 =	vmand vm4, vm15;
	v33 =	vmul.f32 v0, v24;
	vm3 =	vnez.u8 v40;
	v45 =	vld [tilespmem:$0x1FE60]  }
0x116: {  	v0 =	vmul.f32 v0, v14;
	v2 =	vadd.f32 v2, v7;
	vm3 =	vmand vm3, vm14  }
0x117: {  	v54 =	vld [tilespmem:$0x1FE80];
	v46 =	vadd.f32 v35, v34;
	v3 =	vadd.f32 v33, v22;
	vm3 =	vmand vm6, vm3  }
0x118: {  	v62 =	vmovc v17;
	v61 =	vmovc v50;
	v50 =	vld [tilespmem:$0x1FE70];
	v2 =	vmax.f32 v2, $0.0e+00;
	v0 =	vadd.f32 v0, v6;
	v1 =	vadd.f32 v52, v23  }
0x119: {  	v42, v38, _ =	vpop (xrf1);
	v2 =	vnsel vm3, $0x7F800000, v2;
	vm3 =	vmand vm6, vm4;
	v3 =	vadd.f32 v8, v3  }
0x11a: {  	s22 =	sadd.s32 $0x1, s22;
	v4 =	vadd.f32 v19, v46;
	v41, v39, _ =	vpop (xrf1);
	v1 =	vmax.f32 v1, $0.0e+00;
	v7 =	vadd.f32 v45, v43  }
0x11b: {  	p0 =	seq.s32 s22, $0x0;
	v51 =	vadd.f32 v20, v0;
	v1 =	vnsel vm1, $0x7F800000, v1;
	v47 =	vadd.f32 v60, v3;
	v60 =	vld [tilespmem:$0x1FE90];
	v40, v34, _ =	vpop (xrf1)  }
.Ltmp7:
0x11c: {  	v4 =	vadd.f32 v58, v4;
	v3 =	vadd.f32 v54, v49;
	(xrf1) =	vsort.ascd.msk.f32 $0xffff, v1, v25;
	v52 =	vmax.f32 v7, $0.0e+00;
	v35, v33, _ =	vpop (xrf1);
	(pc) =	sbr.rel @!p0 .LBB2_7-.Ltmp7, $4  }
0x11d: {  	vm1 =	vnez.u8 v50;
	(xrf1) =	vsort.dscd.msk.f32 $0xffff, v2, v28;
	v2 =	vnsel vm8, $0x7F800000, v52;
	v1 =	vmax.f32 v47, $0.0e+00;
	v37, v36, _ =	vpop (xrf1)  }
0x11e: {  	vm1 =	vmand vm1, vm13;
	v55 =	vmax.f32 v3, $0.0e+00;
	v1 =	vnsel vm3, $0x7F800000, v1;
	(xrf1) =	vsort.ascd.msk.f32 $0xffff, v2, v25;
	v45, v43, _ =	vpop (xrf1)  }
0x11f: {  	v58 =	vmax.f32 v4, $0.0e+00;
	vm1 =	vmand vm6, vm1;
	v57 =	vnsel vm0, $0x7F800000, v55;
	(xrf1) =	vsort.dscd.msk.f32 $0xffff, v1, v28;
	v47, v46, _ =	vpop (xrf1)  }
0x120: {  	s24 =	sadd.s32 $0x20, s24;
	v29 =	vld [tilespmem:$0x1FF60];
	v50 =	vnsel vm1, $0x7F800000, v58;
	vm0 =	veq.s32 v44, v53;
	v49 =	vadd.f32 v60, v56;
	(xrf1) =	vsort.ascd.msk.f32 $0xffff, v57, v25;
	v31, v30, _ =	vpop (xrf1)  }
.LBB2_8:
0x121: {  	v1 =	vld [tilespmem:$0x1FF80];
	_ =	sdelay $0x2  }
0x122: {  	(xrf1) =	vsort.dscd.msk.f32 $0xffff, v50, v28;
	_ =	sdelay $0x1  }
0x123: {  	v0 =	vadd.f32 v48, v51;
	vm1 =	veq.s32 v32, v1  }
0x124: {  	vm0 =	vmand vm5, vm0;
	v44 =	vmax.f32 v49, $0.0e+00;
	vm1 =	vmand vm2, vm1  }
0x125: {  	v0 =	vmax.f32 v0, $0.0e+00;
	v1 =	vnsel vm0, $0x7F800000, v44;
	vm10 =	vmand vm6, vm1  }
0x126: {  	(xrf1) =	vsort.ascd.msk.f32 $0xffff, v1, v25;
	v0 =	vnsel vm10, $0x7F800000, v0  }
0x127: {  	(xrf1) =	vsort.dscd.msk.f32 $0xffff, v0, v28;
	v49, v48, _ =	vpop (xrf1)  }
0x128: {  	v2, v3, _ =	vpop (xrf1)  }
0x129: {  	vm11 =	vlt.f32 v49, v2  }
0x12a: {  	v5 =	vsel vm11, v48, v3  }
0x12b: {  	v4 =	vsel vm11, v49, v2;
	v1 =	vsel vm11, v3, v48  }
0x12c: {  	v6, v7, _ =	vpop (xrf1);
	v0 =	vsel vm11, v2, v49  }
0x12d: {  	v50, v51, _ =	vpop (xrf1);
	(xrf1) =	vsort.dscd.msk.f32 $0xffff, v4, v5  }
0x12e: {  	vm4 =	vlt.f32 v6, v50;
	(xrf1) =	vsort.dscd.msk.f32 $0xffff, v0, v1;
	v4, v5, _ =	vpop (xrf1)  }
0x12f: {  	v52 =	vsel vm4, v6, v50;
	v53 =	vsel vm4, v7, v51;
	v2 =	vsel vm4, v50, v6;
	v0, v1, _ =	vpop (xrf1)  }
0x130: {  	v3 =	vsel vm4, v51, v7;
	(xrf1) =	vsort.dscd.msk.f32 $0xffff, v52, v53;
	vm5 =	vlt.f32 v4, v0  }
0x131: {  	(xrf1) =	vsort.dscd.msk.f32 $0xffff, v2, v3;
	v55 =	vsel vm5, v5, v1;
	v1 =	vsel vm5, v1, v5  }
0x132: {  	v54 =	vsel vm5, v4, v0;
	v0 =	vsel vm5, v0, v4;
	_ =	sdelay $0x1  }
0x133: {  	(xrf1) =	vsort.dscd.msk.f32 $0xffff, v54, v55;
	v2, v3, _ =	vpop (xrf1)  }
0x134: {  	(xrf1) =	vsort.dscd.msk.f32 $0xffff, v0, v1;
	v0, v1, _ =	vpop (xrf1)  }
0x135: {  	vm6 =	vlt.f32 v2, v0  }
0x136: {  	v56 =	vsel vm6, v2, v0;
	v57 =	vsel vm6, v3, v1;
	v1 =	vsel vm6, v1, v3  }
0x137: {  	v0 =	vsel vm6, v0, v2;
	(xrf1) =	vsort.dscd.msk.f32 $0xffff, v56, v57  }
0x138: {  	(xrf1) =	vsort.dscd.msk.f32 $0xffff, v0, v1;
	_ =	sdelay $0x1  }
0x139: {  	v0, v1, _ =	vpop (xrf1)  }
0x13a: {  	v58, v60, _ =	vpop (xrf1)  }
0x13b: {  	vm8 =	vlt.f32 v42, v0;
	vm7 =	vlt.f32 v31, v58  }
0x13c: {  	v0 =	vsel vm8, v42, v0;
	v4, v5, _ =	vpop (xrf1);
	v2 =	vsel vm7, v31, v58  }
0x13d: {  	v1 =	vsel vm8, v38, v1;
	v3 =	vsel vm7, v30, v60;
	v6, v7, _ =	vpop (xrf1);
	vm0 =	vlt.f32 v2, v0  }
0x13e: {  	vm10 =	vlt.f32 v41, v4;
	vm9 =	vlt.f32 v47, v6;
	v9 =	vsel vm0, v1, v3  }
0x13f: {  	v4 =	vsel vm10, v41, v4;
	v8 =	vsel vm0, v0, v2;
	v6 =	vsel vm9, v47, v6  }
0x140: {  	v5 =	vsel vm10, v39, v5;
	v7 =	vsel vm9, v46, v7;
	vm3 =	vlt.f32 v6, v4  }
0x141: {  	v10, v11, _ =	vpop (xrf1);
	v13 =	vsel vm3, v5, v7  }
0x142: {  	(xrf1) =	vsort.ascd.msk.f32 $0xffff, v8, v9;
	v12 =	vsel vm3, v4, v6;
	v8, v9, _ =	vpop (xrf1)  }
0x143: {  	vm8 =	vlt.f32 v40, v10;
	vm11 =	vlt.f32 v45, v8  }
0x144: {  	v10 =	vsel vm8, v40, v10;
	v11 =	vsel vm8, v34, v11;
	v8 =	vsel vm11, v45, v8;
	v14, v15, _ =	vpop (xrf1)  }
0x145: {  	(xrf1) =	vsort.ascd.msk.f32 $0xffff, v12, v13;
	v9 =	vsel vm11, v43, v9;
	vm4 =	vlt.f32 v8, v10;
	v12, v13, _ =	vpop (xrf1)  }
0x146: {  	vm10 =	vlt.f32 v35, v14;
	v16 =	vsel vm4, v10, v8;
	vm9 =	vlt.f32 v37, v12  }
0x147: {  	v17 =	vsel vm4, v11, v9;
	v14 =	vsel vm10, v35, v14;
	v12 =	vsel vm9, v37, v12  }
0x148: {  	v15 =	vsel vm10, v33, v15;
	v13 =	vsel vm9, v36, v13;
	vm11 =	vlt.f32 v12, v14  }
0x149: {  	(xrf1) =	vsort.ascd.msk.f32 $0xffff, v16, v17;
	v16 =	vsel vm11, v14, v12;
	v17 =	vsel vm11, v15, v13  }
0x14a: {  	v12 =	vsel vm11, v12, v14;
	v13 =	vsel vm11, v13, v15;
	(xrf1) =	vsort.ascd.msk.f32 $0xffff, v16, v17  }
0x14b: {  	v8 =	vsel vm4, v8, v10;
	v9 =	vsel vm4, v9, v11;
	(xrf1) =	vsort.ascd.msk.f32 $0xffff, v12, v13  }
0x14c: {  	v4 =	vsel vm3, v6, v4;
	v5 =	vsel vm3, v7, v5;
	(xrf1) =	vsort.ascd.msk.f32 $0xffff, v8, v9  }
0x14d: {  	v0 =	vsel vm0, v2, v0;
	v1 =	vsel vm0, v3, v1;
	(xrf1) =	vsort.ascd.msk.f32 $0xffff, v4, v5  }
0x14e: {  	(xrf1) =	vsort.ascd.msk.f32 $0xffff, v0, v1;
	_ =	sdelay $0x6  }
0x14f: {  	v21, v19, _ =	vpop (xrf1)  }
0x150: {  	v17, v16, _ =	vpop (xrf1)  }
0x151: {  	v12, v13, _ =	vpop (xrf1)  }
.Ltmp8:
0x152: {  	v8, v9, _ =	vpop (xrf1);
	(pc) =	sbr.rel .LBB2_9-.Ltmp8, $4  }
0x153: {  	v10, v11, _ =	vpop (xrf1)  }
0x154: {  	v14, v15, _ =	vpop (xrf1)  }
0x155: {  	v20, v18, _ =	vpop (xrf1)  }
0x156: {  	vm15 =	vmxor vm15, vm15;
	v23, v22, _ =	vpop (xrf1)  }
.LBB2_11:
0x157: {  	_ =	sfence.sel $0x180000  }
0x158: {  	[bflag:$0x0] =	sbarrier.arrive $0xFFFF  }
0x159: {  	_ =	strace $0x90000047  }
0x15a: {  	s0 =	stileid.u32;
	[bflag:$0x2] =	sbarrier.arrive $0xFFFF  }
0x15b: {  	p0 =	sne.s32 s0, $0x0;
	s0 =	rddreg [dreg:$0x4]  }
0x15c: {  	s0 =	sadd.s32 @!p0 $0x100000, s0  }
0x15d: {  	[sflag:s0] =	ssyncadd.tile.s32 @!p0 $0x1;
	_ =	shalt  }
.Lfunc_end2:
_tile_overlayer_lowered:
.L_overlay_start_2:
0x15e: {  	(tag) =	ssettag $0x2  }
0x15f: {  	s0 =	rddreg [dreg:$0x0];
	s2 =	stileid.u32  }
0x160: {  	s1 =	rddreg [dreg:$0x1];
	p0 =	sne.s32 s2, $0x0  }
0x161: {  	s3 =	rddreg [dreg:$0x2];
	[bflag:$0x3] =	sbarrier.arrive $0xFFFF;
	s2 =	simm.s32 @!p0 $0x1C02  }
0x162: {  	[timem:s3], [sflag:s2] =	dma.local @!p0 [hbm:s0], s1  }
0x163: {  	s0 =	simm.s32 @!p0 $0x2  }
0x164: {  	_ =	swait.ge @!p0 [sflag:s0], s1  }
0x165: {  	s1 =	ssub.s32 @!p0 $0x0, s1;
	[sflag:s0] =	ssyncset.done @!p0 $0x0  }
0x166: {  	[sflag:s0] =	ssyncadd.s32 @!p0 s1  }
0x167: {  	[bflag:$0x3] =	sbarrier.arrive $0xFFFF  }
0x168: {  	_ =	shalt  }

</sc_bundles>
